<compile_context>
chip_gen: v7x
topology: tpu7x:2x2x1
jax: 0.10.2.dev20260603
libtpu: 0.0.44.dev20260713+nightly
codegen_flags: <defaults>
</compile_context>

<pallas_src>
import jax
import jax.numpy as jnp
from jax import lax
from jax.experimental import pallas as pl
from jax.experimental.pallas import tpu as pltpu
from jax.experimental.pallas import tpu_sc as plsc

VOCAB_SIZE = 32000
HIDDEN_SIZE = 4096
BATCH = 4
SEQ_LEN = 4096

NC = 2
NS = 16
NW = NC * NS

B = BATCH * SEQ_LEN
BPW = B // NW

K = 4
NBUF = 4
SCM = 4

BR = 4
NBANK = 2
V = 4

M = 16
RS = M * SCM * K
RD = M * V * BR
CH_S = RS // K
NV = M * V
assert RS + RD == BPW

_mesh = plsc.VectorSubcoreMesh(
    core_axis_name="c", subcore_axis_name="s", num_cores=NC, num_subcores=NS
)


@jax.jit
def _embed_gather(idx_s3, idx_d2, table):
    @pl.kernel(
        out_type=jax.ShapeDtypeStruct((B, HIDDEN_SIZE), jnp.float32),
        mesh=_mesh,
        scratch_types=[
            pltpu.VMEM((CH_S, K), jnp.int32),
            pltpu.VMEM_SHARED((NS, RD), jnp.int32),
            pltpu.SMEM((RD,), jnp.int32),
            pltpu.VMEM_SHARED((NS, NBANK, BR, HIDDEN_SIZE), jnp.float32),
            *[pltpu.VMEM((K, HIDDEN_SIZE), jnp.float32) for _ in range(NBUF)],
            *[pltpu.SemaphoreType.DMA for _ in range(2 * NBUF)],
            *[pltpu.SemaphoreType.DMA for _ in range(2 * NBANK)],
        ],
    )
    def k(idx_s_hbm, idx_d_hbm, table_hbm, out_hbm, idx_v, spm_idx, smem_idx,
          spm, *scr):
        bufs = scr[:NBUF]
        gsems = scr[NBUF:2 * NBUF]
        wsems = scr[2 * NBUF:3 * NBUF]
        isems = scr[3 * NBUF:3 * NBUF + NBANK]
        osems = scr[3 * NBUF + NBANK:]
        sid = lax.axis_index("s")
        wid = sid * NC + lax.axis_index("c")
        base = wid * BPW

        pltpu.sync_copy(idx_s_hbm.at[wid], idx_v)
        pltpu.sync_copy(idx_d_hbm.at[wid], spm_idx.at[sid])
        pltpu.sync_copy(spm_idx.at[sid], smem_idx)

        def bank_wait(bk):
            pltpu.make_async_copy(
                table_hbm.at[pl.ds(0, BR)], spm.at[sid, bk], isems[bk]
            ).wait()

        def bank_out(bk, v_glob):
            pltpu.async_copy(
                spm.at[sid, bk],
                out_hbm.at[pl.ds(base + RS + v_glob * BR, BR)],
                osems[bk],
            )

        def bank_out_wait(bk, v_glob):
            pltpu.make_async_copy(
                spm.at[sid, bk],
                out_hbm.at[pl.ds(base + RS + v_glob * BR, BR)],
                osems[bk],
            ).wait()

        for b in range(NBUF):
            pltpu.async_copy(table_hbm.at[idx_v.at[b]], bufs[b], gsems[b])

        def macro(m, _):
            for i in range(SCM):
                c = m * SCM + i
                b = i
                pltpu.make_async_copy(
                    table_hbm.at[idx_v.at[c]], bufs[b], gsems[b]
                ).wait()
                pltpu.async_copy(
                    bufs[b], out_hbm.at[pl.ds(base + c * K, K)], wsems[b]
                )

            for v in range(V):
                bk = v % NBANK
                v_glob = m * V + v

                @pl.when(v_glob >= NBANK)
                def _drain():
                    bank_wait(bk)
                    bank_out(bk, v_glob - NBANK)
                    bank_out_wait(bk, v_glob - NBANK)

                for l in range(BR):
                    s = smem_idx[v_glob * BR + l]
                    pltpu.async_copy(
                        table_hbm.at[s], spm.at[sid, bk, l], isems[bk]
                    )

            for i in range(SCM):
                c = m * SCM + i
                b = i
                cn = c + NBUF
                pltpu.make_async_copy(
                    bufs[b], out_hbm.at[pl.ds(base + c * K, K)], wsems[b]
                ).wait()

                @pl.when(cn < CH_S)
                def _refill():
                    pltpu.async_copy(
                        table_hbm.at[idx_v.at[cn]], bufs[b], gsems[b]
                    )

            return 0

        lax.fori_loop(0, M, macro, 0)

        for bk in range(NBANK):
            v_glob = NV - NBANK + bk
            bank_wait(bk)
            bank_out(bk, v_glob)
            bank_out_wait(bk, v_glob)

    return k(idx_s3, idx_d2, table)


def kernel(input_ids, embed_weight):
    idx2 = input_ids.reshape(NW, BPW)
    idx_s3 = idx2[:, :RS].reshape(NW, CH_S, K)
    idx_d2 = idx2[:, RS:]
    out = _embed_gather(idx_s3, idx_d2, embed_weight)
    return out.reshape(BATCH, SEQ_LEN, HIDDEN_SIZE)

# --- scband reference (transcript-rebuilt; emitter-appended) ---
"""Pipeline reference for scband-llama-embeddings-85547158601855 (READ-ONLY COPY).

The authoritative reference and input builder live on the scoring server;
editing this copy changes nothing except your own understanding.
"""

import jax, jax.numpy as jnp
import numpy as np

VOCAB_SIZE = 32000
HIDDEN_SIZE = 4096
BATCH = 4
SEQ_LEN = 4096


def setup_inputs(seed: int = 0) -> dict:
    key = jax.random.key(seed)
    k_ids, k_w = jax.random.split(key, 2)
    input_ids = jax.random.randint(k_ids, (BATCH, SEQ_LEN), 0, VOCAB_SIZE, dtype=jnp.int64 if jax.config.jax_enable_x64 else jnp.int32).astype(jnp.int32)
    embed_weight = jax.random.normal(k_w, (VOCAB_SIZE, HIDDEN_SIZE), dtype=jnp.float32) * 0.02
    return {"input_ids": input_ids, "embed_weight": embed_weight}


def reference(input_ids, embed_weight):
    # torch.nn.Embedding forward == row gather from the table
    return jnp.take(embed_weight, input_ids, axis=0)

if __name__ == "__main__":
    import jax
    _d = setup_inputs()
    print(jax.jit(kernel)(*tuple(_d.values())))

</pallas_src>

<mosaic_0001>
#map = affine_map<(d0, d1) -> (0, 0, 0)>
#map1 = affine_map<(d0, d1) -> (0, 0)>
module attributes {stable_mosaic.version = 14 : i64} {
  func.func @k(%arg0: i32, %arg1: i32, %arg2: memref<32x64x4xi32, #tpu.memory_space<hbm>>, %arg3: memref<32x256xi32, #tpu.memory_space<hbm>>, %arg4: memref<32000x4096xf32, #tpu.memory_space<hbm>>, %arg5: memref<16384x4096xf32, #tpu.memory_space<hbm>>, %arg6: memref<64x4xi32, #tpu.memory_space<vmem>>, %arg7: memref<16x256xi32, #tpu.memory_space<vmem_shared>>, %arg8: memref<256xi32, #tpu.memory_space<smem>>, %arg9: memref<16x2x4x4096xf32, #tpu.memory_space<vmem_shared>>, %arg10: memref<4x4096xf32, #tpu.memory_space<vmem>>, %arg11: memref<4x4096xf32, #tpu.memory_space<vmem>>, %arg12: memref<4x4096xf32, #tpu.memory_space<vmem>>, %arg13: memref<4x4096xf32, #tpu.memory_space<vmem>>, %arg14: memref<!tpu.dma_semaphore, #tpu.memory_space<semaphore_mem>>, %arg15: memref<!tpu.dma_semaphore, #tpu.memory_space<semaphore_mem>>, %arg16: memref<!tpu.dma_semaphore, #tpu.memory_space<semaphore_mem>>, %arg17: memref<!tpu.dma_semaphore, #tpu.memory_space<semaphore_mem>>, %arg18: memref<!tpu.dma_semaphore, #tpu.memory_space<semaphore_mem>>, %arg19: memref<!tpu.dma_semaphore, #tpu.memory_space<semaphore_mem>>, %arg20: memref<!tpu.dma_semaphore, #tpu.memory_space<semaphore_mem>>, %arg21: memref<!tpu.dma_semaphore, #tpu.memory_space<semaphore_mem>>, %arg22: memref<!tpu.dma_semaphore, #tpu.memory_space<semaphore_mem>>, %arg23: memref<!tpu.dma_semaphore, #tpu.memory_space<semaphore_mem>>, %arg24: memref<!tpu.dma_semaphore, #tpu.memory_space<semaphore_mem>>, %arg25: memref<!tpu.dma_semaphore, #tpu.memory_space<semaphore_mem>>) attributes {dimension_semantics = [#tpu.dimension_semantics<core_parallel>, #tpu.dimension_semantics<subcore_parallel>], iteration_bounds = array<i64: 2, 16>, scalar_prefetch = 0 : i64, scratch_operands = 20 : i64, tpu.core_type = #tpu.core_type<sc_vector_subcore>, window_params = [{transform_indices = #map}, {transform_indices = #map1}, {transform_indices = #map1}, {transform_indices = #map1}]} {
    %mul3A = arith.constant 2 : i32
    %mul3A_0 = arith.muli %arg1, %mul3A : i32
    %add3A = arith.addi %mul3A_0, %arg0 : i32
    %mul3A_1 = arith.constant 512 : i32
    %mul3A_2 = arith.muli %add3A, %mul3A_1 : i32
    "tpu.region"() ({
      %run_scoped3A = tpu.sem_alloc : memref<!tpu.dma_semaphore, #tpu.memory_space<semaphore_mem>>
      %dma_start3A_95 = arith.constant 0 : i32
      %dma_start3A_96 = arith.constant 0 : i32
      %dma_start3A_97 = tpu.memref_slice %arg2[%add3A, %dma_start3A_95, %dma_start3A_96] : memref<32x64x4xi32, #tpu.memory_space<hbm>> -> memref<1x64x4xi32, #tpu.memory_space<hbm>>
      %dma_start3A_98 = tpu.memref_squeeze %dma_start3A_97 : memref<1x64x4xi32, #tpu.memory_space<hbm>> -> memref<64x4xi32, #tpu.memory_space<hbm>>
      %dma_start3A_99 = arith.constant 0 : i32
      %dma_start3A_100 = arith.constant 0 : i32
      %dma_start3A_101 = tpu.memref_slice %arg2[%add3A, %dma_start3A_99, %dma_start3A_100] : memref<32x64x4xi32, #tpu.memory_space<hbm>> -> memref<1x64x4xi32, #tpu.memory_space<hbm>>
      %dma_start3A_102 = tpu.memref_squeeze %dma_start3A_101 : memref<1x64x4xi32, #tpu.memory_space<hbm>> -> memref<64x4xi32, #tpu.memory_space<hbm>>
      tpu.enqueue_dma source(%dma_start3A_102 : memref<64x4xi32, #tpu.memory_space<hbm>>) target(%arg6 : memref<64x4xi32, #tpu.memory_space<vmem>>) target_semaphore(%run_scoped3A : memref<!tpu.dma_semaphore, #tpu.memory_space<semaphore_mem>>)
      %dma_wait3A_103 = arith.constant 0 : i32
      %dma_wait3A_104 = arith.constant 0 : i32
      %dma_wait3A_105 = tpu.memref_slice %arg2[%add3A, %dma_wait3A_103, %dma_wait3A_104] : memref<32x64x4xi32, #tpu.memory_space<hbm>> -> memref<1x64x4xi32, #tpu.memory_space<hbm>>
      %dma_wait3A_106 = tpu.memref_squeeze %dma_wait3A_105 : memref<1x64x4xi32, #tpu.memory_space<hbm>> -> memref<64x4xi32, #tpu.memory_space<hbm>>
      %dma_wait3A_107 = arith.constant 0 : i32
      %dma_wait3A_108 = arith.constant 0 : i32
      %dma_wait3A_109 = tpu.memref_slice %arg2[%add3A, %dma_wait3A_107, %dma_wait3A_108] : memref<32x64x4xi32, #tpu.memory_space<hbm>> -> memref<1x64x4xi32, #tpu.memory_space<hbm>>
      %dma_wait3A_110 = tpu.memref_squeeze %dma_wait3A_109 : memref<1x64x4xi32, #tpu.memory_space<hbm>> -> memref<64x4xi32, #tpu.memory_space<hbm>>
      tpu.wait_dma2 semaphore(%run_scoped3A : memref<!tpu.dma_semaphore, #tpu.memory_space<semaphore_mem>>) src(%dma_wait3A_110 : memref<64x4xi32, #tpu.memory_space<hbm>>) dst(%arg6 : memref<64x4xi32, #tpu.memory_space<vmem>>)
      tpu.yield
    }) : () -> ()
    "tpu.region"() ({
      %run_scoped3A = tpu.sem_alloc : memref<!tpu.dma_semaphore, #tpu.memory_space<semaphore_mem>>
      %dma_start3A_95 = arith.constant 0 : i32
      %dma_start3A_96 = tpu.memref_slice %arg7[%arg1, %dma_start3A_95] : memref<16x256xi32, #tpu.memory_space<vmem_shared>> -> memref<1x256xi32, #tpu.memory_space<vmem_shared>>
      %dma_start3A_97 = tpu.memref_squeeze %dma_start3A_96 : memref<1x256xi32, #tpu.memory_space<vmem_shared>> -> memref<256xi32, #tpu.memory_space<vmem_shared>>
      %dma_start3A_98 = arith.constant 0 : i32
      %dma_start3A_99 = tpu.memref_slice %arg3[%add3A, %dma_start3A_98] : memref<32x256xi32, #tpu.memory_space<hbm>> -> memref<1x256xi32, #tpu.memory_space<hbm>>
      %dma_start3A_100 = tpu.memref_squeeze %dma_start3A_99 : memref<1x256xi32, #tpu.memory_space<hbm>> -> memref<256xi32, #tpu.memory_space<hbm>>
      tpu.enqueue_dma source(%dma_start3A_100 : memref<256xi32, #tpu.memory_space<hbm>>) target(%dma_start3A_97 : memref<256xi32, #tpu.memory_space<vmem_shared>>) target_semaphore(%run_scoped3A : memref<!tpu.dma_semaphore, #tpu.memory_space<semaphore_mem>>)
      %dma_wait3A_101 = arith.constant 0 : i32
      %dma_wait3A_102 = tpu.memref_slice %arg7[%arg1, %dma_wait3A_101] : memref<16x256xi32, #tpu.memory_space<vmem_shared>> -> memref<1x256xi32, #tpu.memory_space<vmem_shared>>
      %dma_wait3A_103 = tpu.memref_squeeze %dma_wait3A_102 : memref<1x256xi32, #tpu.memory_space<vmem_shared>> -> memref<256xi32, #tpu.memory_space<vmem_shared>>
      %dma_wait3A_104 = arith.constant 0 : i32
      %dma_wait3A_105 = tpu.memref_slice %arg3[%add3A, %dma_wait3A_104] : memref<32x256xi32, #tpu.memory_space<hbm>> -> memref<1x256xi32, #tpu.memory_space<hbm>>
      %dma_wait3A_106 = tpu.memref_squeeze %dma_wait3A_105 : memref<1x256xi32, #tpu.memory_space<hbm>> -> memref<256xi32, #tpu.memory_space<hbm>>
      tpu.wait_dma2 semaphore(%run_scoped3A : memref<!tpu.dma_semaphore, #tpu.memory_space<semaphore_mem>>) src(%dma_wait3A_106 : memref<256xi32, #tpu.memory_space<hbm>>) dst(%dma_wait3A_103 : memref<256xi32, #tpu.memory_space<vmem_shared>>)
      tpu.yield
    }) : () -> ()
    "tpu.region"() ({
      %run_scoped3A = tpu.sem_alloc : memref<!tpu.dma_semaphore, #tpu.memory_space<semaphore_mem>>
      %dma_start3A_95 = arith.constant 0 : i32
      %dma_start3A_96 = tpu.memref_slice %arg7[%arg1, %dma_start3A_95] : memref<16x256xi32, #tpu.memory_space<vmem_shared>> -> memref<1x256xi32, #tpu.memory_space<vmem_shared>>
      %dma_start3A_97 = tpu.memref_squeeze %dma_start3A_96 : memref<1x256xi32, #tpu.memory_space<vmem_shared>> -> memref<256xi32, #tpu.memory_space<vmem_shared>>
      tpu.enqueue_dma source(%dma_start3A_97 : memref<256xi32, #tpu.memory_space<vmem_shared>>) target(%arg8 : memref<256xi32, #tpu.memory_space<smem>>) target_semaphore(%run_scoped3A : memref<!tpu.dma_semaphore, #tpu.memory_space<semaphore_mem>>)
      %dma_wait3A_98 = arith.constant 0 : i32
      %dma_wait3A_99 = tpu.memref_slice %arg7[%arg1, %dma_wait3A_98] : memref<16x256xi32, #tpu.memory_space<vmem_shared>> -> memref<1x256xi32, #tpu.memory_space<vmem_shared>>
      %dma_wait3A_100 = tpu.memref_squeeze %dma_wait3A_99 : memref<1x256xi32, #tpu.memory_space<vmem_shared>> -> memref<256xi32, #tpu.memory_space<vmem_shared>>
      tpu.wait_dma2 semaphore(%run_scoped3A : memref<!tpu.dma_semaphore, #tpu.memory_space<semaphore_mem>>) src(%dma_wait3A_100 : memref<256xi32, #tpu.memory_space<vmem_shared>>) dst(%arg8 : memref<256xi32, #tpu.memory_space<smem>>)
      tpu.yield
    }) : () -> ()
    %dma_start3A = arith.constant 0 : i32
    %dma_start3A_3 = arith.constant 0 : i32
    %dma_start3A_4 = tpu.memref_slice %arg6[%dma_start3A, %dma_start3A_3] : memref<64x4xi32, #tpu.memory_space<vmem>> -> memref<1x4xi32, #tpu.memory_space<vmem>>
    %dma_start3A_5 = tpu.memref_squeeze %dma_start3A_4 : memref<1x4xi32, #tpu.memory_space<vmem>> -> memref<4xi32, #tpu.memory_space<vmem>>
    %dma_start3A_6 = arith.constant 0 : i32
    %dma_start3A_7 = arith.constant 0 : i32
    %dma_start3A_8 = tpu.memref_slice %arg4[%dma_start3A_6, %dma_start3A_7] : memref<32000x4096xf32, #tpu.memory_space<hbm>> -> memref<32000x4096xf32, #tpu.memory_space<hbm>>
    tpu.enqueue_indirect_dma source(%dma_start3A_8 : memref<32000x4096xf32, #tpu.memory_space<hbm>>) target(%arg10 : memref<4x4096xf32, #tpu.memory_space<vmem>>) offsets(%dma_start3A_5 : memref<4xi32, #tpu.memory_space<vmem>>) semaphore(%arg14 : memref<!tpu.dma_semaphore, #tpu.memory_space<semaphore_mem>>)
    %dma_start3A_9 = arith.constant 1 : i32
    %dma_start3A_10 = arith.constant 0 : i32
    %dma_start3A_11 = tpu.memref_slice %arg6[%dma_start3A_9, %dma_start3A_10] : memref<64x4xi32, #tpu.memory_space<vmem>> -> memref<1x4xi32, #tpu.memory_space<vmem>>
    %dma_start3A_12 = tpu.memref_squeeze %dma_start3A_11 : memref<1x4xi32, #tpu.memory_space<vmem>> -> memref<4xi32, #tpu.memory_space<vmem>>
    %dma_start3A_13 = arith.constant 0 : i32
    %dma_start3A_14 = arith.constant 0 : i32
    %dma_start3A_15 = tpu.memref_slice %arg4[%dma_start3A_13, %dma_start3A_14] : memref<32000x4096xf32, #tpu.memory_space<hbm>> -> memref<32000x4096xf32, #tpu.memory_space<hbm>>
    tpu.enqueue_indirect_dma source(%dma_start3A_15 : memref<32000x4096xf32, #tpu.memory_space<hbm>>) target(%arg11 : memref<4x4096xf32, #tpu.memory_space<vmem>>) offsets(%dma_start3A_12 : memref<4xi32, #tpu.memory_space<vmem>>) semaphore(%arg15 : memref<!tpu.dma_semaphore, #tpu.memory_space<semaphore_mem>>)
    %dma_start3A_16 = arith.constant 2 : i32
    %dma_start3A_17 = arith.constant 0 : i32
    %dma_start3A_18 = tpu.memref_slice %arg6[%dma_start3A_16, %dma_start3A_17] : memref<64x4xi32, #tpu.memory_space<vmem>> -> memref<1x4xi32, #tpu.memory_space<vmem>>
    %dma_start3A_19 = tpu.memref_squeeze %dma_start3A_18 : memref<1x4xi32, #tpu.memory_space<vmem>> -> memref<4xi32, #tpu.memory_space<vmem>>
    %dma_start3A_20 = arith.constant 0 : i32
    %dma_start3A_21 = arith.constant 0 : i32
    %dma_start3A_22 = tpu.memref_slice %arg4[%dma_start3A_20, %dma_start3A_21] : memref<32000x4096xf32, #tpu.memory_space<hbm>> -> memref<32000x4096xf32, #tpu.memory_space<hbm>>
    tpu.enqueue_indirect_dma source(%dma_start3A_22 : memref<32000x4096xf32, #tpu.memory_space<hbm>>) target(%arg12 : memref<4x4096xf32, #tpu.memory_space<vmem>>) offsets(%dma_start3A_19 : memref<4xi32, #tpu.memory_space<vmem>>) semaphore(%arg16 : memref<!tpu.dma_semaphore, #tpu.memory_space<semaphore_mem>>)
    %dma_start3A_23 = arith.constant 3 : i32
    %dma_start3A_24 = arith.constant 0 : i32
    %dma_start3A_25 = tpu.memref_slice %arg6[%dma_start3A_23, %dma_start3A_24] : memref<64x4xi32, #tpu.memory_space<vmem>> -> memref<1x4xi32, #tpu.memory_space<vmem>>
    %dma_start3A_26 = tpu.memref_squeeze %dma_start3A_25 : memref<1x4xi32, #tpu.memory_space<vmem>> -> memref<4xi32, #tpu.memory_space<vmem>>
    %dma_start3A_27 = arith.constant 0 : i32
    %dma_start3A_28 = arith.constant 0 : i32
    %dma_start3A_29 = tpu.memref_slice %arg4[%dma_start3A_27, %dma_start3A_28] : memref<32000x4096xf32, #tpu.memory_space<hbm>> -> memref<32000x4096xf32, #tpu.memory_space<hbm>>
    tpu.enqueue_indirect_dma source(%dma_start3A_29 : memref<32000x4096xf32, #tpu.memory_space<hbm>>) target(%arg13 : memref<4x4096xf32, #tpu.memory_space<vmem>>) offsets(%dma_start3A_26 : memref<4xi32, #tpu.memory_space<vmem>>) semaphore(%arg17 : memref<!tpu.dma_semaphore, #tpu.memory_space<semaphore_mem>>)
    %scan3A = arith.constant 0 : i32
    %scan3A_30 = arith.constant 0 : i32
    %scan3A_31 = arith.constant 16 : i32
    %scan3A_32 = arith.addi %scan3A_30, %scan3A_31 : i32
    %scan3A_33 = arith.constant 1 : i32
    %scan3A_34 = scf.for %scan3A_95 = %scan3A_30 to %scan3A_32 step %scan3A_33 iter_args(%scan3A_96 = %scan3A) -> (i32)  : i32 {
      %mul3A_97 = arith.constant 4 : i32
      %mul3A_98 = arith.muli %scan3A_95, %mul3A_97 : i32
      %add3A_99 = arith.constant 0 : i32
      %add3A_100 = arith.addi %mul3A_98, %add3A_99 : i32
      %dma_wait3A_101 = arith.constant 0 : i32
      %dma_wait3A_102 = tpu.memref_slice %arg6[%add3A_100, %dma_wait3A_101] : memref<64x4xi32, #tpu.memory_space<vmem>> -> memref<1x4xi32, #tpu.memory_space<vmem>>
      %dma_wait3A_103 = tpu.memref_squeeze %dma_wait3A_102 : memref<1x4xi32, #tpu.memory_space<vmem>> -> memref<4xi32, #tpu.memory_space<vmem>>
      %dma_wait3A_104 = arith.constant 0 : i32
      %dma_wait3A_105 = arith.constant 0 : i32
      %dma_wait3A_106 = tpu.memref_slice %arg4[%dma_wait3A_104, %dma_wait3A_105] : memref<32000x4096xf32, #tpu.memory_space<hbm>> -> memref<32000x4096xf32, #tpu.memory_space<hbm>>
      tpu.wait_indirect_dma semaphore(%arg14 : memref<!tpu.dma_semaphore, #tpu.memory_space<semaphore_mem>>) src(%dma_wait3A_106 : memref<32000x4096xf32, #tpu.memory_space<hbm>>) dst(%arg10 : memref<4x4096xf32, #tpu.memory_space<vmem>>)
      %mul3A_107 = arith.constant 4 : i32
      %mul3A_108 = arith.muli %add3A_100, %mul3A_107 : i32
      %add3A_109 = arith.addi %mul3A_2, %mul3A_108 : i32
      %dma_start3A_110 = arith.constant 0 : i32
      %dma_start3A_111 = tpu.memref_slice %arg5[%add3A_109, %dma_start3A_110] : memref<16384x4096xf32, #tpu.memory_space<hbm>> -> memref<4x4096xf32, #tpu.memory_space<hbm>>
      %dma_start3A_112 = arith.constant 0 : i32
      %dma_start3A_113 = tpu.memref_slice %arg5[%add3A_109, %dma_start3A_112] : memref<16384x4096xf32, #tpu.memory_space<hbm>> -> memref<4x4096xf32, #tpu.memory_space<hbm>>
      tpu.enqueue_dma source(%arg10 : memref<4x4096xf32, #tpu.memory_space<vmem>>) target(%dma_start3A_113 : memref<4x4096xf32, #tpu.memory_space<hbm>>) target_semaphore(%arg18 : memref<!tpu.dma_semaphore, #tpu.memory_space<semaphore_mem>>)
      %mul3A_114 = arith.constant 4 : i32
      %mul3A_115 = arith.muli %scan3A_95, %mul3A_114 : i32
      %add3A_116 = arith.constant 1 : i32
      %add3A_117 = arith.addi %mul3A_115, %add3A_116 : i32
      %dma_wait3A_118 = arith.constant 0 : i32
      %dma_wait3A_119 = tpu.memref_slice %arg6[%add3A_117, %dma_wait3A_118] : memref<64x4xi32, #tpu.memory_space<vmem>> -> memref<1x4xi32, #tpu.memory_space<vmem>>
      %dma_wait3A_120 = tpu.memref_squeeze %dma_wait3A_119 : memref<1x4xi32, #tpu.memory_space<vmem>> -> memref<4xi32, #tpu.memory_space<vmem>>
      %dma_wait3A_121 = arith.constant 0 : i32
      %dma_wait3A_122 = arith.constant 0 : i32
      %dma_wait3A_123 = tpu.memref_slice %arg4[%dma_wait3A_121, %dma_wait3A_122] : memref<32000x4096xf32, #tpu.memory_space<hbm>> -> memref<32000x4096xf32, #tpu.memory_space<hbm>>
      tpu.wait_indirect_dma semaphore(%arg15 : memref<!tpu.dma_semaphore, #tpu.memory_space<semaphore_mem>>) src(%dma_wait3A_123 : memref<32000x4096xf32, #tpu.memory_space<hbm>>) dst(%arg11 : memref<4x4096xf32, #tpu.memory_space<vmem>>)
      %mul3A_124 = arith.constant 4 : i32
      %mul3A_125 = arith.muli %add3A_117, %mul3A_124 : i32
      %add3A_126 = arith.addi %mul3A_2, %mul3A_125 : i32
      %dma_start3A_127 = arith.constant 0 : i32
      %dma_start3A_128 = tpu.memref_slice %arg5[%add3A_126, %dma_start3A_127] : memref<16384x4096xf32, #tpu.memory_space<hbm>> -> memref<4x4096xf32, #tpu.memory_space<hbm>>
      %dma_start3A_129 = arith.constant 0 : i32
      %dma_start3A_130 = tpu.memref_slice %arg5[%add3A_126, %dma_start3A_129] : memref<16384x4096xf32, #tpu.memory_space<hbm>> -> memref<4x4096xf32, #tpu.memory_space<hbm>>
      tpu.enqueue_dma source(%arg11 : memref<4x4096xf32, #tpu.memory_space<vmem>>) target(%dma_start3A_130 : memref<4x4096xf32, #tpu.memory_space<hbm>>) target_semaphore(%arg19 : memref<!tpu.dma_semaphore, #tpu.memory_space<semaphore_mem>>)
      %mul3A_131 = arith.constant 4 : i32
      %mul3A_132 = arith.muli %scan3A_95, %mul3A_131 : i32
      %add3A_133 = arith.constant 2 : i32
      %add3A_134 = arith.addi %mul3A_132, %add3A_133 : i32
      %dma_wait3A_135 = arith.constant 0 : i32
      %dma_wait3A_136 = tpu.memref_slice %arg6[%add3A_134, %dma_wait3A_135] : memref<64x4xi32, #tpu.memory_space<vmem>> -> memref<1x4xi32, #tpu.memory_space<vmem>>
      %dma_wait3A_137 = tpu.memref_squeeze %dma_wait3A_136 : memref<1x4xi32, #tpu.memory_space<vmem>> -> memref<4xi32, #tpu.memory_space<vmem>>
      %dma_wait3A_138 = arith.constant 0 : i32
      %dma_wait3A_139 = arith.constant 0 : i32
      %dma_wait3A_140 = tpu.memref_slice %arg4[%dma_wait3A_138, %dma_wait3A_139] : memref<32000x4096xf32, #tpu.memory_space<hbm>> -> memref<32000x4096xf32, #tpu.memory_space<hbm>>
      tpu.wait_indirect_dma semaphore(%arg16 : memref<!tpu.dma_semaphore, #tpu.memory_space<semaphore_mem>>) src(%dma_wait3A_140 : memref<32000x4096xf32, #tpu.memory_space<hbm>>) dst(%arg12 : memref<4x4096xf32, #tpu.memory_space<vmem>>)
      %mul3A_141 = arith.constant 4 : i32
      %mul3A_142 = arith.muli %add3A_134, %mul3A_141 : i32
      %add3A_143 = arith.addi %mul3A_2, %mul3A_142 : i32
      %dma_start3A_144 = arith.constant 0 : i32
      %dma_start3A_145 = tpu.memref_slice %arg5[%add3A_143, %dma_start3A_144] : memref<16384x4096xf32, #tpu.memory_space<hbm>> -> memref<4x4096xf32, #tpu.memory_space<hbm>>
      %dma_start3A_146 = arith.constant 0 : i32
      %dma_start3A_147 = tpu.memref_slice %arg5[%add3A_143, %dma_start3A_146] : memref<16384x4096xf32, #tpu.memory_space<hbm>> -> memref<4x4096xf32, #tpu.memory_space<hbm>>
      tpu.enqueue_dma source(%arg12 : memref<4x4096xf32, #tpu.memory_space<vmem>>) target(%dma_start3A_147 : memref<4x4096xf32, #tpu.memory_space<hbm>>) target_semaphore(%arg20 : memref<!tpu.dma_semaphore, #tpu.memory_space<semaphore_mem>>)
      %mul3A_148 = arith.constant 4 : i32
      %mul3A_149 = arith.muli %scan3A_95, %mul3A_148 : i32
      %add3A_150 = arith.constant 3 : i32
      %add3A_151 = arith.addi %mul3A_149, %add3A_150 : i32
      %dma_wait3A_152 = arith.constant 0 : i32
      %dma_wait3A_153 = tpu.memref_slice %arg6[%add3A_151, %dma_wait3A_152] : memref<64x4xi32, #tpu.memory_space<vmem>> -> memref<1x4xi32, #tpu.memory_space<vmem>>
      %dma_wait3A_154 = tpu.memref_squeeze %dma_wait3A_153 : memref<1x4xi32, #tpu.memory_space<vmem>> -> memref<4xi32, #tpu.memory_space<vmem>>
      %dma_wait3A_155 = arith.constant 0 : i32
      %dma_wait3A_156 = arith.constant 0 : i32
      %dma_wait3A_157 = tpu.memref_slice %arg4[%dma_wait3A_155, %dma_wait3A_156] : memref<32000x4096xf32, #tpu.memory_space<hbm>> -> memref<32000x4096xf32, #tpu.memory_space<hbm>>
      tpu.wait_indirect_dma semaphore(%arg17 : memref<!tpu.dma_semaphore, #tpu.memory_space<semaphore_mem>>) src(%dma_wait3A_157 : memref<32000x4096xf32, #tpu.memory_space<hbm>>) dst(%arg13 : memref<4x4096xf32, #tpu.memory_space<vmem>>)
      %mul3A_158 = arith.constant 4 : i32
      %mul3A_159 = arith.muli %add3A_151, %mul3A_158 : i32
      %add3A_160 = arith.addi %mul3A_2, %mul3A_159 : i32
      %dma_start3A_161 = arith.constant 0 : i32
      %dma_start3A_162 = tpu.memref_slice %arg5[%add3A_160, %dma_start3A_161] : memref<16384x4096xf32, #tpu.memory_space<hbm>> -> memref<4x4096xf32, #tpu.memory_space<hbm>>
      %dma_start3A_163 = arith.constant 0 : i32
      %dma_start3A_164 = tpu.memref_slice %arg5[%add3A_160, %dma_start3A_163] : memref<16384x4096xf32, #tpu.memory_space<hbm>> -> memref<4x4096xf32, #tpu.memory_space<hbm>>
      tpu.enqueue_dma source(%arg13 : memref<4x4096xf32, #tpu.memory_space<vmem>>) target(%dma_start3A_164 : memref<4x4096xf32, #tpu.memory_space<hbm>>) target_semaphore(%arg21 : memref<!tpu.dma_semaphore, #tpu.memory_space<semaphore_mem>>)
      %mul3A_165 = arith.constant 4 : i32
      %mul3A_166 = arith.muli %scan3A_95, %mul3A_165 : i32
      %add3A_167 = arith.constant 0 : i32
      %add3A_168 = arith.addi %mul3A_166, %add3A_167 : i32
      %ge3A = arith.constant 2 : i32
      %ge3A_169 = arith.cmpi sge, %add3A_168, %ge3A : i32
      %convert_element_type3A = arith.extui %ge3A_169 : i1 to i32
      %cond3A = arith.constant 0 : i32
      %cond3A_170 = arith.cmpi ne, %convert_element_type3A, %cond3A : i32
      scf.if %cond3A_170 {
        %dma_wait3A_493 = arith.constant 0 : i32
        %dma_wait3A_494 = arith.constant 0 : i32
        %dma_wait3A_495 = arith.constant 0 : i32
        %dma_wait3A_496 = tpu.memref_slice %arg9[%arg1, %dma_wait3A_493, %dma_wait3A_494, %dma_wait3A_495] : memref<16x2x4x4096xf32, #tpu.memory_space<vmem_shared>> -> memref<1x1x4x4096xf32, #tpu.memory_space<vmem_shared>>
        %dma_wait3A_497 = tpu.memref_squeeze %dma_wait3A_496 : memref<1x1x4x4096xf32, #tpu.memory_space<vmem_shared>> -> memref<4x4096xf32, #tpu.memory_space<vmem_shared>>
        %dma_wait3A_498 = arith.constant 0 : i32
        %dma_wait3A_499 = arith.constant 0 : i32
        %dma_wait3A_500 = tpu.memref_slice %arg4[%dma_wait3A_498, %dma_wait3A_499] : memref<32000x4096xf32, #tpu.memory_space<hbm>> -> memref<4x4096xf32, #tpu.memory_space<hbm>>
        tpu.wait_dma2 semaphore(%arg22 : memref<!tpu.dma_semaphore, #tpu.memory_space<semaphore_mem>>) src(%dma_wait3A_500 : memref<4x4096xf32, #tpu.memory_space<hbm>>) dst(%dma_wait3A_497 : memref<4x4096xf32, #tpu.memory_space<vmem_shared>>)
        %sub3A = arith.constant 2 : i32
        %sub3A_501 = arith.subi %add3A_168, %sub3A : i32
        %add3A_502 = arith.constant 256 : i32
        %add3A_503 = arith.addi %mul3A_2, %add3A_502 : i32
        %mul3A_504 = arith.constant 4 : i32
        %mul3A_505 = arith.muli %sub3A_501, %mul3A_504 : i32
        %add3A_506 = arith.addi %add3A_503, %mul3A_505 : i32
        %dma_start3A_507 = arith.constant 0 : i32
        %dma_start3A_508 = arith.constant 0 : i32
        %dma_start3A_509 = tpu.memref_slice %arg5[%add3A_506, %dma_start3A_508] : memref<16384x4096xf32, #tpu.memory_space<hbm>> -> memref<4x4096xf32, #tpu.memory_space<hbm>>
        %dma_start3A_510 = arith.constant 0 : i32
        %dma_start3A_511 = arith.constant 0 : i32
        %dma_start3A_512 = tpu.memref_slice %arg9[%arg1, %dma_start3A_507, %dma_start3A_510, %dma_start3A_511] : memref<16x2x4x4096xf32, #tpu.memory_space<vmem_shared>> -> memref<1x1x4x4096xf32, #tpu.memory_space<vmem_shared>>
        %dma_start3A_513 = tpu.memref_squeeze %dma_start3A_512 : memref<1x1x4x4096xf32, #tpu.memory_space<vmem_shared>> -> memref<4x4096xf32, #tpu.memory_space<vmem_shared>>
        tpu.enqueue_dma source(%dma_start3A_513 : memref<4x4096xf32, #tpu.memory_space<vmem_shared>>) target(%dma_start3A_509 : memref<4x4096xf32, #tpu.memory_space<hbm>>) target_semaphore(%arg24 : memref<!tpu.dma_semaphore, #tpu.memory_space<semaphore_mem>>)
        %sub3A_514 = arith.constant 2 : i32
        %sub3A_515 = arith.subi %add3A_168, %sub3A_514 : i32
        %add3A_516 = arith.constant 256 : i32
        %add3A_517 = arith.addi %mul3A_2, %add3A_516 : i32
        %mul3A_518 = arith.constant 4 : i32
        %mul3A_519 = arith.muli %sub3A_515, %mul3A_518 : i32
        %add3A_520 = arith.addi %add3A_517, %mul3A_519 : i32
        %dma_wait3A_521 = arith.constant 0 : i32
        %dma_wait3A_522 = arith.constant 0 : i32
        %dma_wait3A_523 = tpu.memref_slice %arg5[%add3A_520, %dma_wait3A_522] : memref<16384x4096xf32, #tpu.memory_space<hbm>> -> memref<4x4096xf32, #tpu.memory_space<hbm>>
        %dma_wait3A_524 = arith.constant 0 : i32
        %dma_wait3A_525 = arith.constant 0 : i32
        %dma_wait3A_526 = tpu.memref_slice %arg9[%arg1, %dma_wait3A_521, %dma_wait3A_524, %dma_wait3A_525] : memref<16x2x4x4096xf32, #tpu.memory_space<vmem_shared>> -> memref<1x1x4x4096xf32, #tpu.memory_space<vmem_shared>>
        %dma_wait3A_527 = tpu.memref_squeeze %dma_wait3A_526 : memref<1x1x4x4096xf32, #tpu.memory_space<vmem_shared>> -> memref<4x4096xf32, #tpu.memory_space<vmem_shared>>
        tpu.wait_dma2 semaphore(%arg24 : memref<!tpu.dma_semaphore, #tpu.memory_space<semaphore_mem>>) src(%dma_wait3A_527 : memref<4x4096xf32, #tpu.memory_space<vmem_shared>>) dst(%dma_wait3A_523 : memref<4x4096xf32, #tpu.memory_space<hbm>>)
      } else {
      }
      %mul3A_171 = arith.constant 4 : i32
      %mul3A_172 = arith.muli %add3A_168, %mul3A_171 : i32
      %add3A_173 = arith.constant 0 : i32
      %add3A_174 = arith.addi %mul3A_172, %add3A_173 : i32
      %get3A = arith.index_cast %add3A_174 : i32 to index
      %get3A_175 = memref.load %arg8[%get3A] : memref<256xi32, #tpu.memory_space<smem>>
      %dma_start3A_176 = arith.constant 0 : i32
      %dma_start3A_177 = arith.constant 0 : i32
      %dma_start3A_178 = arith.constant 0 : i32
      %dma_start3A_179 = tpu.memref_slice %arg9[%arg1, %dma_start3A_176, %dma_start3A_177, %dma_start3A_178] : memref<16x2x4x4096xf32, #tpu.memory_space<vmem_shared>> -> memref<1x1x1x4096xf32, #tpu.memory_space<vmem_shared>>
      %dma_start3A_180 = tpu.memref_squeeze %dma_start3A_179 : memref<1x1x1x4096xf32, #tpu.memory_space<vmem_shared>> -> memref<4096xf32, #tpu.memory_space<vmem_shared>>
      %dma_start3A_181 = arith.constant 0 : i32
      %dma_start3A_182 = tpu.memref_slice %arg4[%get3A_175, %dma_start3A_181] : memref<32000x4096xf32, #tpu.memory_space<hbm>> -> memref<1x4096xf32, #tpu.memory_space<hbm>>
      %dma_start3A_183 = tpu.memref_squeeze %dma_start3A_182 : memref<1x4096xf32, #tpu.memory_space<hbm>> -> memref<4096xf32, #tpu.memory_space<hbm>>
      tpu.enqueue_dma source(%dma_start3A_183 : memref<4096xf32, #tpu.memory_space<hbm>>) target(%dma_start3A_180 : memref<4096xf32, #tpu.memory_space<vmem_shared>>) target_semaphore(%arg22 : memref<!tpu.dma_semaphore, #tpu.memory_space<semaphore_mem>>)
      %mul3A_184 = arith.constant 4 : i32
      %mul3A_185 = arith.muli %add3A_168, %mul3A_184 : i32
      %add3A_186 = arith.constant 1 : i32
      %add3A_187 = arith.addi %mul3A_185, %add3A_186 : i32
      %get3A_188 = arith.index_cast %add3A_187 : i32 to index
      %get3A_189 = memref.load %arg8[%get3A_188] : memref<256xi32, #tpu.memory_space<smem>>
      %dma_start3A_190 = arith.constant 0 : i32
      %dma_start3A_191 = arith.constant 1 : i32
      %dma_start3A_192 = arith.constant 0 : i32
      %dma_start3A_193 = tpu.memref_slice %arg9[%arg1, %dma_start3A_190, %dma_start3A_191, %dma_start3A_192] : memref<16x2x4x4096xf32, #tpu.memory_space<vmem_shared>> -> memref<1x1x1x4096xf32, #tpu.memory_space<vmem_shared>>
      %dma_start3A_194 = tpu.memref_squeeze %dma_start3A_193 : memref<1x1x1x4096xf32, #tpu.memory_space<vmem_shared>> -> memref<4096xf32, #tpu.memory_space<vmem_shared>>
      %dma_start3A_195 = arith.constant 0 : i32
      %dma_start3A_196 = tpu.memref_slice %arg4[%get3A_189, %dma_start3A_195] : memref<32000x4096xf32, #tpu.memory_space<hbm>> -> memref<1x4096xf32, #tpu.memory_space<hbm>>
      %dma_start3A_197 = tpu.memref_squeeze %dma_start3A_196 : memref<1x4096xf32, #tpu.memory_space<hbm>> -> memref<4096xf32, #tpu.memory_space<hbm>>
      tpu.enqueue_dma source(%dma_start3A_197 : memref<4096xf32, #tpu.memory_space<hbm>>) target(%dma_start3A_194 : memref<4096xf32, #tpu.memory_space<vmem_shared>>) target_semaphore(%arg22 : memref<!tpu.dma_semaphore, #tpu.memory_space<semaphore_mem>>)
      %mul3A_198 = arith.constant 4 : i32
      %mul3A_199 = arith.muli %add3A_168, %mul3A_198 : i32
      %add3A_200 = arith.constant 2 : i32
      %add3A_201 = arith.addi %mul3A_199, %add3A_200 : i32
      %get3A_202 = arith.index_cast %add3A_201 : i32 to index
      %get3A_203 = memref.load %arg8[%get3A_202] : memref<256xi32, #tpu.memory_space<smem>>
      %dma_start3A_204 = arith.constant 0 : i32
      %dma_start3A_205 = arith.constant 2 : i32
      %dma_start3A_206 = arith.constant 0 : i32
      %dma_start3A_207 = tpu.memref_slice %arg9[%arg1, %dma_start3A_204, %dma_start3A_205, %dma_start3A_206] : memref<16x2x4x4096xf32, #tpu.memory_space<vmem_shared>> -> memref<1x1x1x4096xf32, #tpu.memory_space<vmem_shared>>
      %dma_start3A_208 = tpu.memref_squeeze %dma_start3A_207 : memref<1x1x1x4096xf32, #tpu.memory_space<vmem_shared>> -> memref<4096xf32, #tpu.memory_space<vmem_shared>>
      %dma_start3A_209 = arith.constant 0 : i32
      %dma_start3A_210 = tpu.memref_slice %arg4[%get3A_203, %dma_start3A_209] : memref<32000x4096xf32, #tpu.memory_space<hbm>> -> memref<1x4096xf32, #tpu.memory_space<hbm>>
      %dma_start3A_211 = tpu.memref_squeeze %dma_start3A_210 : memref<1x4096xf32, #tpu.memory_space<hbm>> -> memref<4096xf32, #tpu.memory_space<hbm>>
      tpu.enqueue_dma source(%dma_start3A_211 : memref<4096xf32, #tpu.memory_space<hbm>>) target(%dma_start3A_208 : memref<4096xf32, #tpu.memory_space<vmem_shared>>) target_semaphore(%arg22 : memref<!tpu.dma_semaphore, #tpu.memory_space<semaphore_mem>>)
      %mul3A_212 = arith.constant 4 : i32
      %mul3A_213 = arith.muli %add3A_168, %mul3A_212 : i32
      %add3A_214 = arith.constant 3 : i32
      %add3A_215 = arith.addi %mul3A_213, %add3A_214 : i32
      %get3A_216 = arith.index_cast %add3A_215 : i32 to index
      %get3A_217 = memref.load %arg8[%get3A_216] : memref<256xi32, #tpu.memory_space<smem>>
      %dma_start3A_218 = arith.constant 0 : i32
      %dma_start3A_219 = arith.constant 3 : i32
      %dma_start3A_220 = arith.constant 0 : i32
      %dma_start3A_221 = tpu.memref_slice %arg9[%arg1, %dma_start3A_218, %dma_start3A_219, %dma_start3A_220] : memref<16x2x4x4096xf32, #tpu.memory_space<vmem_shared>> -> memref<1x1x1x4096xf32, #tpu.memory_space<vmem_shared>>
      %dma_start3A_222 = tpu.memref_squeeze %dma_start3A_221 : memref<1x1x1x4096xf32, #tpu.memory_space<vmem_shared>> -> memref<4096xf32, #tpu.memory_space<vmem_shared>>
      %dma_start3A_223 = arith.constant 0 : i32
      %dma_start3A_224 = tpu.memref_slice %arg4[%get3A_217, %dma_start3A_223] : memref<32000x4096xf32, #tpu.memory_space<hbm>> -> memref<1x4096xf32, #tpu.memory_space<hbm>>
      %dma_start3A_225 = tpu.memref_squeeze %dma_start3A_224 : memref<1x4096xf32, #tpu.memory_space<hbm>> -> memref<4096xf32, #tpu.memory_space<hbm>>
      tpu.enqueue_dma source(%dma_start3A_225 : memref<4096xf32, #tpu.memory_space<hbm>>) target(%dma_start3A_222 : memref<4096xf32, #tpu.memory_space<vmem_shared>>) target_semaphore(%arg22 : memref<!tpu.dma_semaphore, #tpu.memory_space<semaphore_mem>>)
      %mul3A_226 = arith.constant 4 : i32
      %mul3A_227 = arith.muli %scan3A_95, %mul3A_226 : i32
      %add3A_228 = arith.constant 1 : i32
      %add3A_229 = arith.addi %mul3A_227, %add3A_228 : i32
      %ge3A_230 = arith.constant 2 : i32
      %ge3A_231 = arith.cmpi sge, %add3A_229, %ge3A_230 : i32
      %convert_element_type3A_232 = arith.extui %ge3A_231 : i1 to i32
      %cond3A_233 = arith.constant 0 : i32
      %cond3A_234 = arith.cmpi ne, %convert_element_type3A_232, %cond3A_233 : i32
      scf.if %cond3A_234 {
        %dma_wait3A_493 = arith.constant 1 : i32
        %dma_wait3A_494 = arith.constant 0 : i32
        %dma_wait3A_495 = arith.constant 0 : i32
        %dma_wait3A_496 = tpu.memref_slice %arg9[%arg1, %dma_wait3A_493, %dma_wait3A_494, %dma_wait3A_495] : memref<16x2x4x4096xf32, #tpu.memory_space<vmem_shared>> -> memref<1x1x4x4096xf32, #tpu.memory_space<vmem_shared>>
        %dma_wait3A_497 = tpu.memref_squeeze %dma_wait3A_496 : memref<1x1x4x4096xf32, #tpu.memory_space<vmem_shared>> -> memref<4x4096xf32, #tpu.memory_space<vmem_shared>>
        %dma_wait3A_498 = arith.constant 0 : i32
        %dma_wait3A_499 = arith.constant 0 : i32
        %dma_wait3A_500 = tpu.memref_slice %arg4[%dma_wait3A_498, %dma_wait3A_499] : memref<32000x4096xf32, #tpu.memory_space<hbm>> -> memref<4x4096xf32, #tpu.memory_space<hbm>>
        tpu.wait_dma2 semaphore(%arg23 : memref<!tpu.dma_semaphore, #tpu.memory_space<semaphore_mem>>) src(%dma_wait3A_500 : memref<4x4096xf32, #tpu.memory_space<hbm>>) dst(%dma_wait3A_497 : memref<4x4096xf32, #tpu.memory_space<vmem_shared>>)
        %sub3A = arith.constant 2 : i32
        %sub3A_501 = arith.subi %add3A_229, %sub3A : i32
        %add3A_502 = arith.constant 256 : i32
        %add3A_503 = arith.addi %mul3A_2, %add3A_502 : i32
        %mul3A_504 = arith.constant 4 : i32
        %mul3A_505 = arith.muli %sub3A_501, %mul3A_504 : i32
        %add3A_506 = arith.addi %add3A_503, %mul3A_505 : i32
        %dma_start3A_507 = arith.constant 1 : i32
        %dma_start3A_508 = arith.constant 0 : i32
        %dma_start3A_509 = tpu.memref_slice %arg5[%add3A_506, %dma_start3A_508] : memref<16384x4096xf32, #tpu.memory_space<hbm>> -> memref<4x4096xf32, #tpu.memory_space<hbm>>
        %dma_start3A_510 = arith.constant 0 : i32
        %dma_start3A_511 = arith.constant 0 : i32
        %dma_start3A_512 = tpu.memref_slice %arg9[%arg1, %dma_start3A_507, %dma_start3A_510, %dma_start3A_511] : memref<16x2x4x4096xf32, #tpu.memory_space<vmem_shared>> -> memref<1x1x4x4096xf32, #tpu.memory_space<vmem_shared>>
        %dma_start3A_513 = tpu.memref_squeeze %dma_start3A_512 : memref<1x1x4x4096xf32, #tpu.memory_space<vmem_shared>> -> memref<4x4096xf32, #tpu.memory_space<vmem_shared>>
        tpu.enqueue_dma source(%dma_start3A_513 : memref<4x4096xf32, #tpu.memory_space<vmem_shared>>) target(%dma_start3A_509 : memref<4x4096xf32, #tpu.memory_space<hbm>>) target_semaphore(%arg25 : memref<!tpu.dma_semaphore, #tpu.memory_space<semaphore_mem>>)
        %sub3A_514 = arith.constant 2 : i32
        %sub3A_515 = arith.subi %add3A_229, %sub3A_514 : i32
        %add3A_516 = arith.constant 256 : i32
        %add3A_517 = arith.addi %mul3A_2, %add3A_516 : i32
        %mul3A_518 = arith.constant 4 : i32
        %mul3A_519 = arith.muli %sub3A_515, %mul3A_518 : i32
        %add3A_520 = arith.addi %add3A_517, %mul3A_519 : i32
        %dma_wait3A_521 = arith.constant 1 : i32
        %dma_wait3A_522 = arith.constant 0 : i32
        %dma_wait3A_523 = tpu.memref_slice %arg5[%add3A_520, %dma_wait3A_522] : memref<16384x4096xf32, #tpu.memory_space<hbm>> -> memref<4x4096xf32, #tpu.memory_space<hbm>>
        %dma_wait3A_524 = arith.constant 0 : i32
        %dma_wait3A_525 = arith.constant 0 : i32
        %dma_wait3A_526 = tpu.memref_slice %arg9[%arg1, %dma_wait3A_521, %dma_wait3A_524, %dma_wait3A_525] : memref<16x2x4x4096xf32, #tpu.memory_space<vmem_shared>> -> memref<1x1x4x4096xf32, #tpu.memory_space<vmem_shared>>
        %dma_wait3A_527 = tpu.memref_squeeze %dma_wait3A_526 : memref<1x1x4x4096xf32, #tpu.memory_space<vmem_shared>> -> memref<4x4096xf32, #tpu.memory_space<vmem_shared>>
        tpu.wait_dma2 semaphore(%arg25 : memref<!tpu.dma_semaphore, #tpu.memory_space<semaphore_mem>>) src(%dma_wait3A_527 : memref<4x4096xf32, #tpu.memory_space<vmem_shared>>) dst(%dma_wait3A_523 : memref<4x4096xf32, #tpu.memory_space<hbm>>)
      } else {
      }
      %mul3A_235 = arith.constant 4 : i32
      %mul3A_236 = arith.muli %add3A_229, %mul3A_235 : i32
      %add3A_237 = arith.constant 0 : i32
      %add3A_238 = arith.addi %mul3A_236, %add3A_237 : i32
      %get3A_239 = arith.index_cast %add3A_238 : i32 to index
      %get3A_240 = memref.load %arg8[%get3A_239] : memref<256xi32, #tpu.memory_space<smem>>
      %dma_start3A_241 = arith.constant 1 : i32
      %dma_start3A_242 = arith.constant 0 : i32
      %dma_start3A_243 = arith.constant 0 : i32
      %dma_start3A_244 = tpu.memref_slice %arg9[%arg1, %dma_start3A_241, %dma_start3A_242, %dma_start3A_243] : memref<16x2x4x4096xf32, #tpu.memory_space<vmem_shared>> -> memref<1x1x1x4096xf32, #tpu.memory_space<vmem_shared>>
      %dma_start3A_245 = tpu.memref_squeeze %dma_start3A_244 : memref<1x1x1x4096xf32, #tpu.memory_space<vmem_shared>> -> memref<4096xf32, #tpu.memory_space<vmem_shared>>
      %dma_start3A_246 = arith.constant 0 : i32
      %dma_start3A_247 = tpu.memref_slice %arg4[%get3A_240, %dma_start3A_246] : memref<32000x4096xf32, #tpu.memory_space<hbm>> -> memref<1x4096xf32, #tpu.memory_space<hbm>>
      %dma_start3A_248 = tpu.memref_squeeze %dma_start3A_247 : memref<1x4096xf32, #tpu.memory_space<hbm>> -> memref<4096xf32, #tpu.memory_space<hbm>>
      tpu.enqueue_dma source(%dma_start3A_248 : memref<4096xf32, #tpu.memory_space<hbm>>) target(%dma_start3A_245 : memref<4096xf32, #tpu.memory_space<vmem_shared>>) target_semaphore(%arg23 : memref<!tpu.dma_semaphore, #tpu.memory_space<semaphore_mem>>)
      %mul3A_249 = arith.constant 4 : i32
      %mul3A_250 = arith.muli %add3A_229, %mul3A_249 : i32
      %add3A_251 = arith.constant 1 : i32
      %add3A_252 = arith.addi %mul3A_250, %add3A_251 : i32
      %get3A_253 = arith.index_cast %add3A_252 : i32 to index
      %get3A_254 = memref.load %arg8[%get3A_253] : memref<256xi32, #tpu.memory_space<smem>>
      %dma_start3A_255 = arith.constant 1 : i32
      %dma_start3A_256 = arith.constant 1 : i32
      %dma_start3A_257 = arith.constant 0 : i32
      %dma_start3A_258 = tpu.memref_slice %arg9[%arg1, %dma_start3A_255, %dma_start3A_256, %dma_start3A_257] : memref<16x2x4x4096xf32, #tpu.memory_space<vmem_shared>> -> memref<1x1x1x4096xf32, #tpu.memory_space<vmem_shared>>
      %dma_start3A_259 = tpu.memref_squeeze %dma_start3A_258 : memref<1x1x1x4096xf32, #tpu.memory_space<vmem_shared>> -> memref<4096xf32, #tpu.memory_space<vmem_shared>>
      %dma_start3A_260 = arith.constant 0 : i32
      %dma_start3A_261 = tpu.memref_slice %arg4[%get3A_254, %dma_start3A_260] : memref<32000x4096xf32, #tpu.memory_space<hbm>> -> memref<1x4096xf32, #tpu.memory_space<hbm>>
      %dma_start3A_262 = tpu.memref_squeeze %dma_start3A_261 : memref<1x4096xf32, #tpu.memory_space<hbm>> -> memref<4096xf32, #tpu.memory_space<hbm>>
      tpu.enqueue_dma source(%dma_start3A_262 : memref<4096xf32, #tpu.memory_space<hbm>>) target(%dma_start3A_259 : memref<4096xf32, #tpu.memory_space<vmem_shared>>) target_semaphore(%arg23 : memref<!tpu.dma_semaphore, #tpu.memory_space<semaphore_mem>>)
      %mul3A_263 = arith.constant 4 : i32
      %mul3A_264 = arith.muli %add3A_229, %mul3A_263 : i32
      %add3A_265 = arith.constant 2 : i32
      %add3A_266 = arith.addi %mul3A_264, %add3A_265 : i32
      %get3A_267 = arith.index_cast %add3A_266 : i32 to index
      %get3A_268 = memref.load %arg8[%get3A_267] : memref<256xi32, #tpu.memory_space<smem>>
      %dma_start3A_269 = arith.constant 1 : i32
      %dma_start3A_270 = arith.constant 2 : i32
      %dma_start3A_271 = arith.constant 0 : i32
      %dma_start3A_272 = tpu.memref_slice %arg9[%arg1, %dma_start3A_269, %dma_start3A_270, %dma_start3A_271] : memref<16x2x4x4096xf32, #tpu.memory_space<vmem_shared>> -> memref<1x1x1x4096xf32, #tpu.memory_space<vmem_shared>>
      %dma_start3A_273 = tpu.memref_squeeze %dma_start3A_272 : memref<1x1x1x4096xf32, #tpu.memory_space<vmem_shared>> -> memref<4096xf32, #tpu.memory_space<vmem_shared>>
      %dma_start3A_274 = arith.constant 0 : i32
      %dma_start3A_275 = tpu.memref_slice %arg4[%get3A_268, %dma_start3A_274] : memref<32000x4096xf32, #tpu.memory_space<hbm>> -> memref<1x4096xf32, #tpu.memory_space<hbm>>
      %dma_start3A_276 = tpu.memref_squeeze %dma_start3A_275 : memref<1x4096xf32, #tpu.memory_space<hbm>> -> memref<4096xf32, #tpu.memory_space<hbm>>
      tpu.enqueue_dma source(%dma_start3A_276 : memref<4096xf32, #tpu.memory_space<hbm>>) target(%dma_start3A_273 : memref<4096xf32, #tpu.memory_space<vmem_shared>>) target_semaphore(%arg23 : memref<!tpu.dma_semaphore, #tpu.memory_space<semaphore_mem>>)
      %mul3A_277 = arith.constant 4 : i32
      %mul3A_278 = arith.muli %add3A_229, %mul3A_277 : i32
      %add3A_279 = arith.constant 3 : i32
      %add3A_280 = arith.addi %mul3A_278, %add3A_279 : i32
      %get3A_281 = arith.index_cast %add3A_280 : i32 to index
      %get3A_282 = memref.load %arg8[%get3A_281] : memref<256xi32, #tpu.memory_space<smem>>
      %dma_start3A_283 = arith.constant 1 : i32
      %dma_start3A_284 = arith.constant 3 : i32
      %dma_start3A_285 = arith.constant 0 : i32
      %dma_start3A_286 = tpu.memref_slice %arg9[%arg1, %dma_start3A_283, %dma_start3A_284, %dma_start3A_285] : memref<16x2x4x4096xf32, #tpu.memory_space<vmem_shared>> -> memref<1x1x1x4096xf32, #tpu.memory_space<vmem_shared>>
      %dma_start3A_287 = tpu.memref_squeeze %dma_start3A_286 : memref<1x1x1x4096xf32, #tpu.memory_space<vmem_shared>> -> memref<4096xf32, #tpu.memory_space<vmem_shared>>
      %dma_start3A_288 = arith.constant 0 : i32
      %dma_start3A_289 = tpu.memref_slice %arg4[%get3A_282, %dma_start3A_288] : memref<32000x4096xf32, #tpu.memory_space<hbm>> -> memref<1x4096xf32, #tpu.memory_space<hbm>>
      %dma_start3A_290 = tpu.memref_squeeze %dma_start3A_289 : memref<1x4096xf32, #tpu.memory_space<hbm>> -> memref<4096xf32, #tpu.memory_space<hbm>>
      tpu.enqueue_dma source(%dma_start3A_290 : memref<4096xf32, #tpu.memory_space<hbm>>) target(%dma_start3A_287 : memref<4096xf32, #tpu.memory_space<vmem_shared>>) target_semaphore(%arg23 : memref<!tpu.dma_semaphore, #tpu.memory_space<semaphore_mem>>)
      %mul3A_291 = arith.constant 4 : i32
      %mul3A_292 = arith.muli %scan3A_95, %mul3A_291 : i32
      %add3A_293 = arith.constant 2 : i32
      %add3A_294 = arith.addi %mul3A_292, %add3A_293 : i32
      %ge3A_295 = arith.constant 2 : i32
      %ge3A_296 = arith.cmpi sge, %add3A_294, %ge3A_295 : i32
      %convert_element_type3A_297 = arith.extui %ge3A_296 : i1 to i32
      %cond3A_298 = arith.constant 0 : i32
      %cond3A_299 = arith.cmpi ne, %convert_element_type3A_297, %cond3A_298 : i32
      scf.if %cond3A_299 {
        %dma_wait3A_493 = arith.constant 0 : i32
        %dma_wait3A_494 = arith.constant 0 : i32
        %dma_wait3A_495 = arith.constant 0 : i32
        %dma_wait3A_496 = tpu.memref_slice %arg9[%arg1, %dma_wait3A_493, %dma_wait3A_494, %dma_wait3A_495] : memref<16x2x4x4096xf32, #tpu.memory_space<vmem_shared>> -> memref<1x1x4x4096xf32, #tpu.memory_space<vmem_shared>>
        %dma_wait3A_497 = tpu.memref_squeeze %dma_wait3A_496 : memref<1x1x4x4096xf32, #tpu.memory_space<vmem_shared>> -> memref<4x4096xf32, #tpu.memory_space<vmem_shared>>
        %dma_wait3A_498 = arith.constant 0 : i32
        %dma_wait3A_499 = arith.constant 0 : i32
        %dma_wait3A_500 = tpu.memref_slice %arg4[%dma_wait3A_498, %dma_wait3A_499] : memref<32000x4096xf32, #tpu.memory_space<hbm>> -> memref<4x4096xf32, #tpu.memory_space<hbm>>
        tpu.wait_dma2 semaphore(%arg22 : memref<!tpu.dma_semaphore, #tpu.memory_space<semaphore_mem>>) src(%dma_wait3A_500 : memref<4x4096xf32, #tpu.memory_space<hbm>>) dst(%dma_wait3A_497 : memref<4x4096xf32, #tpu.memory_space<vmem_shared>>)
        %sub3A = arith.constant 2 : i32
        %sub3A_501 = arith.subi %add3A_294, %sub3A : i32
        %add3A_502 = arith.constant 256 : i32
        %add3A_503 = arith.addi %mul3A_2, %add3A_502 : i32
        %mul3A_504 = arith.constant 4 : i32
        %mul3A_505 = arith.muli %sub3A_501, %mul3A_504 : i32
        %add3A_506 = arith.addi %add3A_503, %mul3A_505 : i32
        %dma_start3A_507 = arith.constant 0 : i32
        %dma_start3A_508 = arith.constant 0 : i32
        %dma_start3A_509 = tpu.memref_slice %arg5[%add3A_506, %dma_start3A_508] : memref<16384x4096xf32, #tpu.memory_space<hbm>> -> memref<4x4096xf32, #tpu.memory_space<hbm>>
        %dma_start3A_510 = arith.constant 0 : i32
        %dma_start3A_511 = arith.constant 0 : i32
        %dma_start3A_512 = tpu.memref_slice %arg9[%arg1, %dma_start3A_507, %dma_start3A_510, %dma_start3A_511] : memref<16x2x4x4096xf32, #tpu.memory_space<vmem_shared>> -> memref<1x1x4x4096xf32, #tpu.memory_space<vmem_shared>>
        %dma_start3A_513 = tpu.memref_squeeze %dma_start3A_512 : memref<1x1x4x4096xf32, #tpu.memory_space<vmem_shared>> -> memref<4x4096xf32, #tpu.memory_space<vmem_shared>>
        tpu.enqueue_dma source(%dma_start3A_513 : memref<4x4096xf32, #tpu.memory_space<vmem_shared>>) target(%dma_start3A_509 : memref<4x4096xf32, #tpu.memory_space<hbm>>) target_semaphore(%arg24 : memref<!tpu.dma_semaphore, #tpu.memory_space<semaphore_mem>>)
        %sub3A_514 = arith.constant 2 : i32
        %sub3A_515 = arith.subi %add3A_294, %sub3A_514 : i32
        %add3A_516 = arith.constant 256 : i32
        %add3A_517 = arith.addi %mul3A_2, %add3A_516 : i32
        %mul3A_518 = arith.constant 4 : i32
        %mul3A_519 = arith.muli %sub3A_515, %mul3A_518 : i32
        %add3A_520 = arith.addi %add3A_517, %mul3A_519 : i32
        %dma_wait3A_521 = arith.constant 0 : i32
        %dma_wait3A_522 = arith.constant 0 : i32
        %dma_wait3A_523 = tpu.memref_slice %arg5[%add3A_520, %dma_wait3A_522] : memref<16384x4096xf32, #tpu.memory_space<hbm>> -> memref<4x4096xf32, #tpu.memory_space<hbm>>
        %dma_wait3A_524 = arith.constant 0 : i32
        %dma_wait3A_525 = arith.constant 0 : i32
        %dma_wait3A_526 = tpu.memref_slice %arg9[%arg1, %dma_wait3A_521, %dma_wait3A_524, %dma_wait3A_525] : memref<16x2x4x4096xf32, #tpu.memory_space<vmem_shared>> -> memref<1x1x4x4096xf32, #tpu.memory_space<vmem_shared>>
        %dma_wait3A_527 = tpu.memref_squeeze %dma_wait3A_526 : memref<1x1x4x4096xf32, #tpu.memory_space<vmem_shared>> -> memref<4x4096xf32, #tpu.memory_space<vmem_shared>>
        tpu.wait_dma2 semaphore(%arg24 : memref<!tpu.dma_semaphore, #tpu.memory_space<semaphore_mem>>) src(%dma_wait3A_527 : memref<4x4096xf32, #tpu.memory_space<vmem_shared>>) dst(%dma_wait3A_523 : memref<4x4096xf32, #tpu.memory_space<hbm>>)
      } else {
      }
      %mul3A_300 = arith.constant 4 : i32
      %mul3A_301 = arith.muli %add3A_294, %mul3A_300 : i32
      %add3A_302 = arith.constant 0 : i32
      %add3A_303 = arith.addi %mul3A_301, %add3A_302 : i32
      %get3A_304 = arith.index_cast %add3A_303 : i32 to index
      %get3A_305 = memref.load %arg8[%get3A_304] : memref<256xi32, #tpu.memory_space<smem>>
      %dma_start3A_306 = arith.constant 0 : i32
      %dma_start3A_307 = arith.constant 0 : i32
      %dma_start3A_308 = arith.constant 0 : i32
      %dma_start3A_309 = tpu.memref_slice %arg9[%arg1, %dma_start3A_306, %dma_start3A_307, %dma_start3A_308] : memref<16x2x4x4096xf32, #tpu.memory_space<vmem_shared>> -> memref<1x1x1x4096xf32, #tpu.memory_space<vmem_shared>>
      %dma_start3A_310 = tpu.memref_squeeze %dma_start3A_309 : memref<1x1x1x4096xf32, #tpu.memory_space<vmem_shared>> -> memref<4096xf32, #tpu.memory_space<vmem_shared>>
      %dma_start3A_311 = arith.constant 0 : i32
      %dma_start3A_312 = tpu.memref_slice %arg4[%get3A_305, %dma_start3A_311] : memref<32000x4096xf32, #tpu.memory_space<hbm>> -> memref<1x4096xf32, #tpu.memory_space<hbm>>
      %dma_start3A_313 = tpu.memref_squeeze %dma_start3A_312 : memref<1x4096xf32, #tpu.memory_space<hbm>> -> memref<4096xf32, #tpu.memory_space<hbm>>
      tpu.enqueue_dma source(%dma_start3A_313 : memref<4096xf32, #tpu.memory_space<hbm>>) target(%dma_start3A_310 : memref<4096xf32, #tpu.memory_space<vmem_shared>>) target_semaphore(%arg22 : memref<!tpu.dma_semaphore, #tpu.memory_space<semaphore_mem>>)
      %mul3A_314 = arith.constant 4 : i32
      %mul3A_315 = arith.muli %add3A_294, %mul3A_314 : i32
      %add3A_316 = arith.constant 1 : i32
      %add3A_317 = arith.addi %mul3A_315, %add3A_316 : i32
      %get3A_318 = arith.index_cast %add3A_317 : i32 to index
      %get3A_319 = memref.load %arg8[%get3A_318] : memref<256xi32, #tpu.memory_space<smem>>
      %dma_start3A_320 = arith.constant 0 : i32
      %dma_start3A_321 = arith.constant 1 : i32
      %dma_start3A_322 = arith.constant 0 : i32
      %dma_start3A_323 = tpu.memref_slice %arg9[%arg1, %dma_start3A_320, %dma_start3A_321, %dma_start3A_322] : memref<16x2x4x4096xf32, #tpu.memory_space<vmem_shared>> -> memref<1x1x1x4096xf32, #tpu.memory_space<vmem_shared>>
      %dma_start3A_324 = tpu.memref_squeeze %dma_start3A_323 : memref<1x1x1x4096xf32, #tpu.memory_space<vmem_shared>> -> memref<4096xf32, #tpu.memory_space<vmem_shared>>
      %dma_start3A_325 = arith.constant 0 : i32
      %dma_start3A_326 = tpu.memref_slice %arg4[%get3A_319, %dma_start3A_325] : memref<32000x4096xf32, #tpu.memory_space<hbm>> -> memref<1x4096xf32, #tpu.memory_space<hbm>>
      %dma_start3A_327 = tpu.memref_squeeze %dma_start3A_326 : memref<1x4096xf32, #tpu.memory_space<hbm>> -> memref<4096xf32, #tpu.memory_space<hbm>>
      tpu.enqueue_dma source(%dma_start3A_327 : memref<4096xf32, #tpu.memory_space<hbm>>) target(%dma_start3A_324 : memref<4096xf32, #tpu.memory_space<vmem_shared>>) target_semaphore(%arg22 : memref<!tpu.dma_semaphore, #tpu.memory_space<semaphore_mem>>)
      %mul3A_328 = arith.constant 4 : i32
      %mul3A_329 = arith.muli %add3A_294, %mul3A_328 : i32
      %add3A_330 = arith.constant 2 : i32
      %add3A_331 = arith.addi %mul3A_329, %add3A_330 : i32
      %get3A_332 = arith.index_cast %add3A_331 : i32 to index
      %get3A_333 = memref.load %arg8[%get3A_332] : memref<256xi32, #tpu.memory_space<smem>>
      %dma_start3A_334 = arith.constant 0 : i32
      %dma_start3A_335 = arith.constant 2 : i32
      %dma_start3A_336 = arith.constant 0 : i32
      %dma_start3A_337 = tpu.memref_slice %arg9[%arg1, %dma_start3A_334, %dma_start3A_335, %dma_start3A_336] : memref<16x2x4x4096xf32, #tpu.memory_space<vmem_shared>> -> memref<1x1x1x4096xf32, #tpu.memory_space<vmem_shared>>
      %dma_start3A_338 = tpu.memref_squeeze %dma_start3A_337 : memref<1x1x1x4096xf32, #tpu.memory_space<vmem_shared>> -> memref<4096xf32, #tpu.memory_space<vmem_shared>>
      %dma_start3A_339 = arith.constant 0 : i32
      %dma_start3A_340 = tpu.memref_slice %arg4[%get3A_333, %dma_start3A_339] : memref<32000x4096xf32, #tpu.memory_space<hbm>> -> memref<1x4096xf32, #tpu.memory_space<hbm>>
      %dma_start3A_341 = tpu.memref_squeeze %dma_start3A_340 : memref<1x4096xf32, #tpu.memory_space<hbm>> -> memref<4096xf32, #tpu.memory_space<hbm>>
      tpu.enqueue_dma source(%dma_start3A_341 : memref<4096xf32, #tpu.memory_space<hbm>>) target(%dma_start3A_338 : memref<4096xf32, #tpu.memory_space<vmem_shared>>) target_semaphore(%arg22 : memref<!tpu.dma_semaphore, #tpu.memory_space<semaphore_mem>>)
      %mul3A_342 = arith.constant 4 : i32
      %mul3A_343 = arith.muli %add3A_294, %mul3A_342 : i32
      %add3A_344 = arith.constant 3 : i32
      %add3A_345 = arith.addi %mul3A_343, %add3A_344 : i32
      %get3A_346 = arith.index_cast %add3A_345 : i32 to index
      %get3A_347 = memref.load %arg8[%get3A_346] : memref<256xi32, #tpu.memory_space<smem>>
      %dma_start3A_348 = arith.constant 0 : i32
      %dma_start3A_349 = arith.constant 3 : i32
      %dma_start3A_350 = arith.constant 0 : i32
      %dma_start3A_351 = tpu.memref_slice %arg9[%arg1, %dma_start3A_348, %dma_start3A_349, %dma_start3A_350] : memref<16x2x4x4096xf32, #tpu.memory_space<vmem_shared>> -> memref<1x1x1x4096xf32, #tpu.memory_space<vmem_shared>>
      %dma_start3A_352 = tpu.memref_squeeze %dma_start3A_351 : memref<1x1x1x4096xf32, #tpu.memory_space<vmem_shared>> -> memref<4096xf32, #tpu.memory_space<vmem_shared>>
      %dma_start3A_353 = arith.constant 0 : i32
      %dma_start3A_354 = tpu.memref_slice %arg4[%get3A_347, %dma_start3A_353] : memref<32000x4096xf32, #tpu.memory_space<hbm>> -> memref<1x4096xf32, #tpu.memory_space<hbm>>
      %dma_start3A_355 = tpu.memref_squeeze %dma_start3A_354 : memref<1x4096xf32, #tpu.memory_space<hbm>> -> memref<4096xf32, #tpu.memory_space<hbm>>
      tpu.enqueue_dma source(%dma_start3A_355 : memref<4096xf32, #tpu.memory_space<hbm>>) target(%dma_start3A_352 : memref<4096xf32, #tpu.memory_space<vmem_shared>>) target_semaphore(%arg22 : memref<!tpu.dma_semaphore, #tpu.memory_space<semaphore_mem>>)
      %mul3A_356 = arith.constant 4 : i32
      %mul3A_357 = arith.muli %scan3A_95, %mul3A_356 : i32
      %add3A_358 = arith.constant 3 : i32
      %add3A_359 = arith.addi %mul3A_357, %add3A_358 : i32
      %ge3A_360 = arith.constant 2 : i32
      %ge3A_361 = arith.cmpi sge, %add3A_359, %ge3A_360 : i32
      %convert_element_type3A_362 = arith.extui %ge3A_361 : i1 to i32
      %cond3A_363 = arith.constant 0 : i32
      %cond3A_364 = arith.cmpi ne, %convert_element_type3A_362, %cond3A_363 : i32
      scf.if %cond3A_364 {
        %dma_wait3A_493 = arith.constant 1 : i32
        %dma_wait3A_494 = arith.constant 0 : i32
        %dma_wait3A_495 = arith.constant 0 : i32
        %dma_wait3A_496 = tpu.memref_slice %arg9[%arg1, %dma_wait3A_493, %dma_wait3A_494, %dma_wait3A_495] : memref<16x2x4x4096xf32, #tpu.memory_space<vmem_shared>> -> memref<1x1x4x4096xf32, #tpu.memory_space<vmem_shared>>
        %dma_wait3A_497 = tpu.memref_squeeze %dma_wait3A_496 : memref<1x1x4x4096xf32, #tpu.memory_space<vmem_shared>> -> memref<4x4096xf32, #tpu.memory_space<vmem_shared>>
        %dma_wait3A_498 = arith.constant 0 : i32
        %dma_wait3A_499 = arith.constant 0 : i32
        %dma_wait3A_500 = tpu.memref_slice %arg4[%dma_wait3A_498, %dma_wait3A_499] : memref<32000x4096xf32, #tpu.memory_space<hbm>> -> memref<4x4096xf32, #tpu.memory_space<hbm>>
        tpu.wait_dma2 semaphore(%arg23 : memref<!tpu.dma_semaphore, #tpu.memory_space<semaphore_mem>>) src(%dma_wait3A_500 : memref<4x4096xf32, #tpu.memory_space<hbm>>) dst(%dma_wait3A_497 : memref<4x4096xf32, #tpu.memory_space<vmem_shared>>)
        %sub3A = arith.constant 2 : i32
        %sub3A_501 = arith.subi %add3A_359, %sub3A : i32
        %add3A_502 = arith.constant 256 : i32
        %add3A_503 = arith.addi %mul3A_2, %add3A_502 : i32
        %mul3A_504 = arith.constant 4 : i32
        %mul3A_505 = arith.muli %sub3A_501, %mul3A_504 : i32
        %add3A_506 = arith.addi %add3A_503, %mul3A_505 : i32
        %dma_start3A_507 = arith.constant 1 : i32
        %dma_start3A_508 = arith.constant 0 : i32
        %dma_start3A_509 = tpu.memref_slice %arg5[%add3A_506, %dma_start3A_508] : memref<16384x4096xf32, #tpu.memory_space<hbm>> -> memref<4x4096xf32, #tpu.memory_space<hbm>>
        %dma_start3A_510 = arith.constant 0 : i32
        %dma_start3A_511 = arith.constant 0 : i32
        %dma_start3A_512 = tpu.memref_slice %arg9[%arg1, %dma_start3A_507, %dma_start3A_510, %dma_start3A_511] : memref<16x2x4x4096xf32, #tpu.memory_space<vmem_shared>> -> memref<1x1x4x4096xf32, #tpu.memory_space<vmem_shared>>
        %dma_start3A_513 = tpu.memref_squeeze %dma_start3A_512 : memref<1x1x4x4096xf32, #tpu.memory_space<vmem_shared>> -> memref<4x4096xf32, #tpu.memory_space<vmem_shared>>
        tpu.enqueue_dma source(%dma_start3A_513 : memref<4x4096xf32, #tpu.memory_space<vmem_shared>>) target(%dma_start3A_509 : memref<4x4096xf32, #tpu.memory_space<hbm>>) target_semaphore(%arg25 : memref<!tpu.dma_semaphore, #tpu.memory_space<semaphore_mem>>)
        %sub3A_514 = arith.constant 2 : i32
        %sub3A_515 = arith.subi %add3A_359, %sub3A_514 : i32
        %add3A_516 = arith.constant 256 : i32
        %add3A_517 = arith.addi %mul3A_2, %add3A_516 : i32
        %mul3A_518 = arith.constant 4 : i32
        %mul3A_519 = arith.muli %sub3A_515, %mul3A_518 : i32
        %add3A_520 = arith.addi %add3A_517, %mul3A_519 : i32
        %dma_wait3A_521 = arith.constant 1 : i32
        %dma_wait3A_522 = arith.constant 0 : i32
        %dma_wait3A_523 = tpu.memref_slice %arg5[%add3A_520, %dma_wait3A_522] : memref<16384x4096xf32, #tpu.memory_space<hbm>> -> memref<4x4096xf32, #tpu.memory_space<hbm>>
        %dma_wait3A_524 = arith.constant 0 : i32
        %dma_wait3A_525 = arith.constant 0 : i32
        %dma_wait3A_526 = tpu.memref_slice %arg9[%arg1, %dma_wait3A_521, %dma_wait3A_524, %dma_wait3A_525] : memref<16x2x4x4096xf32, #tpu.memory_space<vmem_shared>> -> memref<1x1x4x4096xf32, #tpu.memory_space<vmem_shared>>
        %dma_wait3A_527 = tpu.memref_squeeze %dma_wait3A_526 : memref<1x1x4x4096xf32, #tpu.memory_space<vmem_shared>> -> memref<4x4096xf32, #tpu.memory_space<vmem_shared>>
        tpu.wait_dma2 semaphore(%arg25 : memref<!tpu.dma_semaphore, #tpu.memory_space<semaphore_mem>>) src(%dma_wait3A_527 : memref<4x4096xf32, #tpu.memory_space<vmem_shared>>) dst(%dma_wait3A_523 : memref<4x4096xf32, #tpu.memory_space<hbm>>)
      } else {
      }
      %mul3A_365 = arith.constant 4 : i32
      %mul3A_366 = arith.muli %add3A_359, %mul3A_365 : i32
      %add3A_367 = arith.constant 0 : i32
      %add3A_368 = arith.addi %mul3A_366, %add3A_367 : i32
      %get3A_369 = arith.index_cast %add3A_368 : i32 to index
      %get3A_370 = memref.load %arg8[%get3A_369] : memref<256xi32, #tpu.memory_space<smem>>
      %dma_start3A_371 = arith.constant 1 : i32
      %dma_start3A_372 = arith.constant 0 : i32
      %dma_start3A_373 = arith.constant 0 : i32
      %dma_start3A_374 = tpu.memref_slice %arg9[%arg1, %dma_start3A_371, %dma_start3A_372, %dma_start3A_373] : memref<16x2x4x4096xf32, #tpu.memory_space<vmem_shared>> -> memref<1x1x1x4096xf32, #tpu.memory_space<vmem_shared>>
      %dma_start3A_375 = tpu.memref_squeeze %dma_start3A_374 : memref<1x1x1x4096xf32, #tpu.memory_space<vmem_shared>> -> memref<4096xf32, #tpu.memory_space<vmem_shared>>
      %dma_start3A_376 = arith.constant 0 : i32
      %dma_start3A_377 = tpu.memref_slice %arg4[%get3A_370, %dma_start3A_376] : memref<32000x4096xf32, #tpu.memory_space<hbm>> -> memref<1x4096xf32, #tpu.memory_space<hbm>>
      %dma_start3A_378 = tpu.memref_squeeze %dma_start3A_377 : memref<1x4096xf32, #tpu.memory_space<hbm>> -> memref<4096xf32, #tpu.memory_space<hbm>>
      tpu.enqueue_dma source(%dma_start3A_378 : memref<4096xf32, #tpu.memory_space<hbm>>) target(%dma_start3A_375 : memref<4096xf32, #tpu.memory_space<vmem_shared>>) target_semaphore(%arg23 : memref<!tpu.dma_semaphore, #tpu.memory_space<semaphore_mem>>)
      %mul3A_379 = arith.constant 4 : i32
      %mul3A_380 = arith.muli %add3A_359, %mul3A_379 : i32
      %add3A_381 = arith.constant 1 : i32
      %add3A_382 = arith.addi %mul3A_380, %add3A_381 : i32
      %get3A_383 = arith.index_cast %add3A_382 : i32 to index
      %get3A_384 = memref.load %arg8[%get3A_383] : memref<256xi32, #tpu.memory_space<smem>>
      %dma_start3A_385 = arith.constant 1 : i32
      %dma_start3A_386 = arith.constant 1 : i32
      %dma_start3A_387 = arith.constant 0 : i32
      %dma_start3A_388 = tpu.memref_slice %arg9[%arg1, %dma_start3A_385, %dma_start3A_386, %dma_start3A_387] : memref<16x2x4x4096xf32, #tpu.memory_space<vmem_shared>> -> memref<1x1x1x4096xf32, #tpu.memory_space<vmem_shared>>
      %dma_start3A_389 = tpu.memref_squeeze %dma_start3A_388 : memref<1x1x1x4096xf32, #tpu.memory_space<vmem_shared>> -> memref<4096xf32, #tpu.memory_space<vmem_shared>>
      %dma_start3A_390 = arith.constant 0 : i32
      %dma_start3A_391 = tpu.memref_slice %arg4[%get3A_384, %dma_start3A_390] : memref<32000x4096xf32, #tpu.memory_space<hbm>> -> memref<1x4096xf32, #tpu.memory_space<hbm>>
      %dma_start3A_392 = tpu.memref_squeeze %dma_start3A_391 : memref<1x4096xf32, #tpu.memory_space<hbm>> -> memref<4096xf32, #tpu.memory_space<hbm>>
      tpu.enqueue_dma source(%dma_start3A_392 : memref<4096xf32, #tpu.memory_space<hbm>>) target(%dma_start3A_389 : memref<4096xf32, #tpu.memory_space<vmem_shared>>) target_semaphore(%arg23 : memref<!tpu.dma_semaphore, #tpu.memory_space<semaphore_mem>>)
      %mul3A_393 = arith.constant 4 : i32
      %mul3A_394 = arith.muli %add3A_359, %mul3A_393 : i32
      %add3A_395 = arith.constant 2 : i32
      %add3A_396 = arith.addi %mul3A_394, %add3A_395 : i32
      %get3A_397 = arith.index_cast %add3A_396 : i32 to index
      %get3A_398 = memref.load %arg8[%get3A_397] : memref<256xi32, #tpu.memory_space<smem>>
      %dma_start3A_399 = arith.constant 1 : i32
      %dma_start3A_400 = arith.constant 2 : i32
      %dma_start3A_401 = arith.constant 0 : i32
      %dma_start3A_402 = tpu.memref_slice %arg9[%arg1, %dma_start3A_399, %dma_start3A_400, %dma_start3A_401] : memref<16x2x4x4096xf32, #tpu.memory_space<vmem_shared>> -> memref<1x1x1x4096xf32, #tpu.memory_space<vmem_shared>>
      %dma_start3A_403 = tpu.memref_squeeze %dma_start3A_402 : memref<1x1x1x4096xf32, #tpu.memory_space<vmem_shared>> -> memref<4096xf32, #tpu.memory_space<vmem_shared>>
      %dma_start3A_404 = arith.constant 0 : i32
      %dma_start3A_405 = tpu.memref_slice %arg4[%get3A_398, %dma_start3A_404] : memref<32000x4096xf32, #tpu.memory_space<hbm>> -> memref<1x4096xf32, #tpu.memory_space<hbm>>
      %dma_start3A_406 = tpu.memref_squeeze %dma_start3A_405 : memref<1x4096xf32, #tpu.memory_space<hbm>> -> memref<4096xf32, #tpu.memory_space<hbm>>
      tpu.enqueue_dma source(%dma_start3A_406 : memref<4096xf32, #tpu.memory_space<hbm>>) target(%dma_start3A_403 : memref<4096xf32, #tpu.memory_space<vmem_shared>>) target_semaphore(%arg23 : memref<!tpu.dma_semaphore, #tpu.memory_space<semaphore_mem>>)
      %mul3A_407 = arith.constant 4 : i32
      %mul3A_408 = arith.muli %add3A_359, %mul3A_407 : i32
      %add3A_409 = arith.constant 3 : i32
      %add3A_410 = arith.addi %mul3A_408, %add3A_409 : i32
      %get3A_411 = arith.index_cast %add3A_410 : i32 to index
      %get3A_412 = memref.load %arg8[%get3A_411] : memref<256xi32, #tpu.memory_space<smem>>
      %dma_start3A_413 = arith.constant 1 : i32
      %dma_start3A_414 = arith.constant 3 : i32
      %dma_start3A_415 = arith.constant 0 : i32
      %dma_start3A_416 = tpu.memref_slice %arg9[%arg1, %dma_start3A_413, %dma_start3A_414, %dma_start3A_415] : memref<16x2x4x4096xf32, #tpu.memory_space<vmem_shared>> -> memref<1x1x1x4096xf32, #tpu.memory_space<vmem_shared>>
      %dma_start3A_417 = tpu.memref_squeeze %dma_start3A_416 : memref<1x1x1x4096xf32, #tpu.memory_space<vmem_shared>> -> memref<4096xf32, #tpu.memory_space<vmem_shared>>
      %dma_start3A_418 = arith.constant 0 : i32
      %dma_start3A_419 = tpu.memref_slice %arg4[%get3A_412, %dma_start3A_418] : memref<32000x4096xf32, #tpu.memory_space<hbm>> -> memref<1x4096xf32, #tpu.memory_space<hbm>>
      %dma_start3A_420 = tpu.memref_squeeze %dma_start3A_419 : memref<1x4096xf32, #tpu.memory_space<hbm>> -> memref<4096xf32, #tpu.memory_space<hbm>>
      tpu.enqueue_dma source(%dma_start3A_420 : memref<4096xf32, #tpu.memory_space<hbm>>) target(%dma_start3A_417 : memref<4096xf32, #tpu.memory_space<vmem_shared>>) target_semaphore(%arg23 : memref<!tpu.dma_semaphore, #tpu.memory_space<semaphore_mem>>)
      %mul3A_421 = arith.constant 4 : i32
      %mul3A_422 = arith.muli %scan3A_95, %mul3A_421 : i32
      %add3A_423 = arith.constant 0 : i32
      %add3A_424 = arith.addi %mul3A_422, %add3A_423 : i32
      %add3A_425 = arith.constant 4 : i32
      %add3A_426 = arith.addi %add3A_424, %add3A_425 : i32
      %mul3A_427 = arith.constant 4 : i32
      %mul3A_428 = arith.muli %add3A_424, %mul3A_427 : i32
      %add3A_429 = arith.addi %mul3A_2, %mul3A_428 : i32
      %dma_wait3A_430 = arith.constant 0 : i32
      %dma_wait3A_431 = tpu.memref_slice %arg5[%add3A_429, %dma_wait3A_430] : memref<16384x4096xf32, #tpu.memory_space<hbm>> -> memref<4x4096xf32, #tpu.memory_space<hbm>>
      %dma_wait3A_432 = arith.constant 0 : i32
      %dma_wait3A_433 = tpu.memref_slice %arg5[%add3A_429, %dma_wait3A_432] : memref<16384x4096xf32, #tpu.memory_space<hbm>> -> memref<4x4096xf32, #tpu.memory_space<hbm>>
      tpu.wait_dma2 semaphore(%arg18 : memref<!tpu.dma_semaphore, #tpu.memory_space<semaphore_mem>>) src(%arg10 : memref<4x4096xf32, #tpu.memory_space<vmem>>) dst(%dma_wait3A_433 : memref<4x4096xf32, #tpu.memory_space<hbm>>)
      %lt3A = arith.constant 64 : i32
      %lt3A_434 = arith.cmpi slt, %add3A_426, %lt3A : i32
      %convert_element_type3A_435 = arith.extui %lt3A_434 : i1 to i32
      %cond3A_436 = arith.constant 0 : i32
      %cond3A_437 = arith.cmpi ne, %convert_element_type3A_435, %cond3A_436 : i32
      scf.if %cond3A_437 {
        %dma_start3A_493 = arith.constant 0 : i32
        %dma_start3A_494 = tpu.memref_slice %arg6[%add3A_426, %dma_start3A_493] : memref<64x4xi32, #tpu.memory_space<vmem>> -> memref<1x4xi32, #tpu.memory_space<vmem>>
        %dma_start3A_495 = tpu.memref_squeeze %dma_start3A_494 : memref<1x4xi32, #tpu.memory_space<vmem>> -> memref<4xi32, #tpu.memory_space<vmem>>
        %dma_start3A_496 = arith.constant 0 : i32
        %dma_start3A_497 = arith.constant 0 : i32
        %dma_start3A_498 = tpu.memref_slice %arg4[%dma_start3A_496, %dma_start3A_497] : memref<32000x4096xf32, #tpu.memory_space<hbm>> -> memref<32000x4096xf32, #tpu.memory_space<hbm>>
        tpu.enqueue_indirect_dma source(%dma_start3A_498 : memref<32000x4096xf32, #tpu.memory_space<hbm>>) target(%arg10 : memref<4x4096xf32, #tpu.memory_space<vmem>>) offsets(%dma_start3A_495 : memref<4xi32, #tpu.memory_space<vmem>>) semaphore(%arg14 : memref<!tpu.dma_semaphore, #tpu.memory_space<semaphore_mem>>)
      } else {
      }
      %mul3A_438 = arith.constant 4 : i32
      %mul3A_439 = arith.muli %scan3A_95, %mul3A_438 : i32
      %add3A_440 = arith.constant 1 : i32
      %add3A_441 = arith.addi %mul3A_439, %add3A_440 : i32
      %add3A_442 = arith.constant 4 : i32
      %add3A_443 = arith.addi %add3A_441, %add3A_442 : i32
      %mul3A_444 = arith.constant 4 : i32
      %mul3A_445 = arith.muli %add3A_441, %mul3A_444 : i32
      %add3A_446 = arith.addi %mul3A_2, %mul3A_445 : i32
      %dma_wait3A_447 = arith.constant 0 : i32
      %dma_wait3A_448 = tpu.memref_slice %arg5[%add3A_446, %dma_wait3A_447] : memref<16384x4096xf32, #tpu.memory_space<hbm>> -> memref<4x4096xf32, #tpu.memory_space<hbm>>
      %dma_wait3A_449 = arith.constant 0 : i32
      %dma_wait3A_450 = tpu.memref_slice %arg5[%add3A_446, %dma_wait3A_449] : memref<16384x4096xf32, #tpu.memory_space<hbm>> -> memref<4x4096xf32, #tpu.memory_space<hbm>>
      tpu.wait_dma2 semaphore(%arg19 : memref<!tpu.dma_semaphore, #tpu.memory_space<semaphore_mem>>) src(%arg11 : memref<4x4096xf32, #tpu.memory_space<vmem>>) dst(%dma_wait3A_450 : memref<4x4096xf32, #tpu.memory_space<hbm>>)
      %lt3A_451 = arith.constant 64 : i32
      %lt3A_452 = arith.cmpi slt, %add3A_443, %lt3A_451 : i32
      %convert_element_type3A_453 = arith.extui %lt3A_452 : i1 to i32
      %cond3A_454 = arith.constant 0 : i32
      %cond3A_455 = arith.cmpi ne, %convert_element_type3A_453, %cond3A_454 : i32
      scf.if %cond3A_455 {
        %dma_start3A_493 = arith.constant 0 : i32
        %dma_start3A_494 = tpu.memref_slice %arg6[%add3A_443, %dma_start3A_493] : memref<64x4xi32, #tpu.memory_space<vmem>> -> memref<1x4xi32, #tpu.memory_space<vmem>>
        %dma_start3A_495 = tpu.memref_squeeze %dma_start3A_494 : memref<1x4xi32, #tpu.memory_space<vmem>> -> memref<4xi32, #tpu.memory_space<vmem>>
        %dma_start3A_496 = arith.constant 0 : i32
        %dma_start3A_497 = arith.constant 0 : i32
        %dma_start3A_498 = tpu.memref_slice %arg4[%dma_start3A_496, %dma_start3A_497] : memref<32000x4096xf32, #tpu.memory_space<hbm>> -> memref<32000x4096xf32, #tpu.memory_space<hbm>>
        tpu.enqueue_indirect_dma source(%dma_start3A_498 : memref<32000x4096xf32, #tpu.memory_space<hbm>>) target(%arg11 : memref<4x4096xf32, #tpu.memory_space<vmem>>) offsets(%dma_start3A_495 : memref<4xi32, #tpu.memory_space<vmem>>) semaphore(%arg15 : memref<!tpu.dma_semaphore, #tpu.memory_space<semaphore_mem>>)
      } else {
      }
      %mul3A_456 = arith.constant 4 : i32
      %mul3A_457 = arith.muli %scan3A_95, %mul3A_456 : i32
      %add3A_458 = arith.constant 2 : i32
      %add3A_459 = arith.addi %mul3A_457, %add3A_458 : i32
      %add3A_460 = arith.constant 4 : i32
      %add3A_461 = arith.addi %add3A_459, %add3A_460 : i32
      %mul3A_462 = arith.constant 4 : i32
      %mul3A_463 = arith.muli %add3A_459, %mul3A_462 : i32
      %add3A_464 = arith.addi %mul3A_2, %mul3A_463 : i32
      %dma_wait3A_465 = arith.constant 0 : i32
      %dma_wait3A_466 = tpu.memref_slice %arg5[%add3A_464, %dma_wait3A_465] : memref<16384x4096xf32, #tpu.memory_space<hbm>> -> memref<4x4096xf32, #tpu.memory_space<hbm>>
      %dma_wait3A_467 = arith.constant 0 : i32
      %dma_wait3A_468 = tpu.memref_slice %arg5[%add3A_464, %dma_wait3A_467] : memref<16384x4096xf32, #tpu.memory_space<hbm>> -> memref<4x4096xf32, #tpu.memory_space<hbm>>
      tpu.wait_dma2 semaphore(%arg20 : memref<!tpu.dma_semaphore, #tpu.memory_space<semaphore_mem>>) src(%arg12 : memref<4x4096xf32, #tpu.memory_space<vmem>>) dst(%dma_wait3A_468 : memref<4x4096xf32, #tpu.memory_space<hbm>>)
      %lt3A_469 = arith.constant 64 : i32
      %lt3A_470 = arith.cmpi slt, %add3A_461, %lt3A_469 : i32
      %convert_element_type3A_471 = arith.extui %lt3A_470 : i1 to i32
      %cond3A_472 = arith.constant 0 : i32
      %cond3A_473 = arith.cmpi ne, %convert_element_type3A_471, %cond3A_472 : i32
      scf.if %cond3A_473 {
        %dma_start3A_493 = arith.constant 0 : i32
        %dma_start3A_494 = tpu.memref_slice %arg6[%add3A_461, %dma_start3A_493] : memref<64x4xi32, #tpu.memory_space<vmem>> -> memref<1x4xi32, #tpu.memory_space<vmem>>
        %dma_start3A_495 = tpu.memref_squeeze %dma_start3A_494 : memref<1x4xi32, #tpu.memory_space<vmem>> -> memref<4xi32, #tpu.memory_space<vmem>>
        %dma_start3A_496 = arith.constant 0 : i32
        %dma_start3A_497 = arith.constant 0 : i32
        %dma_start3A_498 = tpu.memref_slice %arg4[%dma_start3A_496, %dma_start3A_497] : memref<32000x4096xf32, #tpu.memory_space<hbm>> -> memref<32000x4096xf32, #tpu.memory_space<hbm>>
        tpu.enqueue_indirect_dma source(%dma_start3A_498 : memref<32000x4096xf32, #tpu.memory_space<hbm>>) target(%arg12 : memref<4x4096xf32, #tpu.memory_space<vmem>>) offsets(%dma_start3A_495 : memref<4xi32, #tpu.memory_space<vmem>>) semaphore(%arg16 : memref<!tpu.dma_semaphore, #tpu.memory_space<semaphore_mem>>)
      } else {
      }
      %mul3A_474 = arith.constant 4 : i32
      %mul3A_475 = arith.muli %scan3A_95, %mul3A_474 : i32
      %add3A_476 = arith.constant 3 : i32
      %add3A_477 = arith.addi %mul3A_475, %add3A_476 : i32
      %add3A_478 = arith.constant 4 : i32
      %add3A_479 = arith.addi %add3A_477, %add3A_478 : i32
      %mul3A_480 = arith.constant 4 : i32
      %mul3A_481 = arith.muli %add3A_477, %mul3A_480 : i32
      %add3A_482 = arith.addi %mul3A_2, %mul3A_481 : i32
      %dma_wait3A_483 = arith.constant 0 : i32
      %dma_wait3A_484 = tpu.memref_slice %arg5[%add3A_482, %dma_wait3A_483] : memref<16384x4096xf32, #tpu.memory_space<hbm>> -> memref<4x4096xf32, #tpu.memory_space<hbm>>
      %dma_wait3A_485 = arith.constant 0 : i32
      %dma_wait3A_486 = tpu.memref_slice %arg5[%add3A_482, %dma_wait3A_485] : memref<16384x4096xf32, #tpu.memory_space<hbm>> -> memref<4x4096xf32, #tpu.memory_space<hbm>>
      tpu.wait_dma2 semaphore(%arg21 : memref<!tpu.dma_semaphore, #tpu.memory_space<semaphore_mem>>) src(%arg13 : memref<4x4096xf32, #tpu.memory_space<vmem>>) dst(%dma_wait3A_486 : memref<4x4096xf32, #tpu.memory_space<hbm>>)
      %lt3A_487 = arith.constant 64 : i32
      %lt3A_488 = arith.cmpi slt, %add3A_479, %lt3A_487 : i32
      %convert_element_type3A_489 = arith.extui %lt3A_488 : i1 to i32
      %cond3A_490 = arith.constant 0 : i32
      %cond3A_491 = arith.cmpi ne, %convert_element_type3A_489, %cond3A_490 : i32
      scf.if %cond3A_491 {
        %dma_start3A_493 = arith.constant 0 : i32
        %dma_start3A_494 = tpu.memref_slice %arg6[%add3A_479, %dma_start3A_493] : memref<64x4xi32, #tpu.memory_space<vmem>> -> memref<1x4xi32, #tpu.memory_space<vmem>>
        %dma_start3A_495 = tpu.memref_squeeze %dma_start3A_494 : memref<1x4xi32, #tpu.memory_space<vmem>> -> memref<4xi32, #tpu.memory_space<vmem>>
        %dma_start3A_496 = arith.constant 0 : i32
        %dma_start3A_497 = arith.constant 0 : i32
        %dma_start3A_498 = tpu.memref_slice %arg4[%dma_start3A_496, %dma_start3A_497] : memref<32000x4096xf32, #tpu.memory_space<hbm>> -> memref<32000x4096xf32, #tpu.memory_space<hbm>>
        tpu.enqueue_indirect_dma source(%dma_start3A_498 : memref<32000x4096xf32, #tpu.memory_space<hbm>>) target(%arg13 : memref<4x4096xf32, #tpu.memory_space<vmem>>) offsets(%dma_start3A_495 : memref<4xi32, #tpu.memory_space<vmem>>) semaphore(%arg17 : memref<!tpu.dma_semaphore, #tpu.memory_space<semaphore_mem>>)
      } else {
      }
      %scan3A_492 = arith.constant 0 : i32
      scf.yield %scan3A_492 : i32
    }
    %scan3A_35 = arith.constant 16 : i32
    %dma_wait3A = arith.constant 0 : i32
    %dma_wait3A_36 = arith.constant 0 : i32
    %dma_wait3A_37 = arith.constant 0 : i32
    %dma_wait3A_38 = tpu.memref_slice %arg9[%arg1, %dma_wait3A, %dma_wait3A_36, %dma_wait3A_37] : memref<16x2x4x4096xf32, #tpu.memory_space<vmem_shared>> -> memref<1x1x4x4096xf32, #tpu.memory_space<vmem_shared>>
    %dma_wait3A_39 = tpu.memref_squeeze %dma_wait3A_38 : memref<1x1x4x4096xf32, #tpu.memory_space<vmem_shared>> -> memref<4x4096xf32, #tpu.memory_space<vmem_shared>>
    %dma_wait3A_40 = arith.constant 0 : i32
    %dma_wait3A_41 = arith.constant 0 : i32
    %dma_wait3A_42 = tpu.memref_slice %arg4[%dma_wait3A_40, %dma_wait3A_41] : memref<32000x4096xf32, #tpu.memory_space<hbm>> -> memref<4x4096xf32, #tpu.memory_space<hbm>>
    tpu.wait_dma2 semaphore(%arg22 : memref<!tpu.dma_semaphore, #tpu.memory_space<semaphore_mem>>) src(%dma_wait3A_42 : memref<4x4096xf32, #tpu.memory_space<hbm>>) dst(%dma_wait3A_39 : memref<4x4096xf32, #tpu.memory_space<vmem_shared>>)
    %add3A_43 = arith.constant 256 : i32
    %add3A_44 = arith.addi %mul3A_2, %add3A_43 : i32
    %add3A_45 = arith.constant 248 : i32
    %add3A_46 = arith.addi %add3A_44, %add3A_45 : i32
    %dma_start3A_47 = arith.constant 0 : i32
    %dma_start3A_48 = arith.constant 0 : i32
    %dma_start3A_49 = tpu.memref_slice %arg5[%add3A_46, %dma_start3A_48] : memref<16384x4096xf32, #tpu.memory_space<hbm>> -> memref<4x4096xf32, #tpu.memory_space<hbm>>
    %dma_start3A_50 = arith.constant 0 : i32
    %dma_start3A_51 = arith.constant 0 : i32
    %dma_start3A_52 = tpu.memref_slice %arg9[%arg1, %dma_start3A_47, %dma_start3A_50, %dma_start3A_51] : memref<16x2x4x4096xf32, #tpu.memory_space<vmem_shared>> -> memref<1x1x4x4096xf32, #tpu.memory_space<vmem_shared>>
    %dma_start3A_53 = tpu.memref_squeeze %dma_start3A_52 : memref<1x1x4x4096xf32, #tpu.memory_space<vmem_shared>> -> memref<4x4096xf32, #tpu.memory_space<vmem_shared>>
    tpu.enqueue_dma source(%dma_start3A_53 : memref<4x4096xf32, #tpu.memory_space<vmem_shared>>) target(%dma_start3A_49 : memref<4x4096xf32, #tpu.memory_space<hbm>>) target_semaphore(%arg24 : memref<!tpu.dma_semaphore, #tpu.memory_space<semaphore_mem>>)
    %add3A_54 = arith.constant 256 : i32
    %add3A_55 = arith.addi %mul3A_2, %add3A_54 : i32
    %add3A_56 = arith.constant 248 : i32
    %add3A_57 = arith.addi %add3A_55, %add3A_56 : i32
    %dma_wait3A_58 = arith.constant 0 : i32
    %dma_wait3A_59 = arith.constant 0 : i32
    %dma_wait3A_60 = tpu.memref_slice %arg5[%add3A_57, %dma_wait3A_59] : memref<16384x4096xf32, #tpu.memory_space<hbm>> -> memref<4x4096xf32, #tpu.memory_space<hbm>>
    %dma_wait3A_61 = arith.constant 0 : i32
    %dma_wait3A_62 = arith.constant 0 : i32
    %dma_wait3A_63 = tpu.memref_slice %arg9[%arg1, %dma_wait3A_58, %dma_wait3A_61, %dma_wait3A_62] : memref<16x2x4x4096xf32, #tpu.memory_space<vmem_shared>> -> memref<1x1x4x4096xf32, #tpu.memory_space<vmem_shared>>
    %dma_wait3A_64 = tpu.memref_squeeze %dma_wait3A_63 : memref<1x1x4x4096xf32, #tpu.memory_space<vmem_shared>> -> memref<4x4096xf32, #tpu.memory_space<vmem_shared>>
    tpu.wait_dma2 semaphore(%arg24 : memref<!tpu.dma_semaphore, #tpu.memory_space<semaphore_mem>>) src(%dma_wait3A_64 : memref<4x4096xf32, #tpu.memory_space<vmem_shared>>) dst(%dma_wait3A_60 : memref<4x4096xf32, #tpu.memory_space<hbm>>)
    %dma_wait3A_65 = arith.constant 1 : i32
    %dma_wait3A_66 = arith.constant 0 : i32
    %dma_wait3A_67 = arith.constant 0 : i32
    %dma_wait3A_68 = tpu.memref_slice %arg9[%arg1, %dma_wait3A_65, %dma_wait3A_66, %dma_wait3A_67] : memref<16x2x4x4096xf32, #tpu.memory_space<vmem_shared>> -> memref<1x1x4x4096xf32, #tpu.memory_space<vmem_shared>>
    %dma_wait3A_69 = tpu.memref_squeeze %dma_wait3A_68 : memref<1x1x4x4096xf32, #tpu.memory_space<vmem_shared>> -> memref<4x4096xf32, #tpu.memory_space<vmem_shared>>
    %dma_wait3A_70 = arith.constant 0 : i32
    %dma_wait3A_71 = arith.constant 0 : i32
    %dma_wait3A_72 = tpu.memref_slice %arg4[%dma_wait3A_70, %dma_wait3A_71] : memref<32000x4096xf32, #tpu.memory_space<hbm>> -> memref<4x4096xf32, #tpu.memory_space<hbm>>
    tpu.wait_dma2 semaphore(%arg23 : memref<!tpu.dma_semaphore, #tpu.memory_space<semaphore_mem>>) src(%dma_wait3A_72 : memref<4x4096xf32, #tpu.memory_space<hbm>>) dst(%dma_wait3A_69 : memref<4x4096xf32, #tpu.memory_space<vmem_shared>>)
    %add3A_73 = arith.constant 256 : i32
    %add3A_74 = arith.addi %mul3A_2, %add3A_73 : i32
    %add3A_75 = arith.constant 252 : i32
    %add3A_76 = arith.addi %add3A_74, %add3A_75 : i32
    %dma_start3A_77 = arith.constant 1 : i32
    %dma_start3A_78 = arith.constant 0 : i32
    %dma_start3A_79 = tpu.memref_slice %arg5[%add3A_76, %dma_start3A_78] : memref<16384x4096xf32, #tpu.memory_space<hbm>> -> memref<4x4096xf32, #tpu.memory_space<hbm>>
    %dma_start3A_80 = arith.constant 0 : i32
    %dma_start3A_81 = arith.constant 0 : i32
    %dma_start3A_82 = tpu.memref_slice %arg9[%arg1, %dma_start3A_77, %dma_start3A_80, %dma_start3A_81] : memref<16x2x4x4096xf32, #tpu.memory_space<vmem_shared>> -> memref<1x1x4x4096xf32, #tpu.memory_space<vmem_shared>>
    %dma_start3A_83 = tpu.memref_squeeze %dma_start3A_82 : memref<1x1x4x4096xf32, #tpu.memory_space<vmem_shared>> -> memref<4x4096xf32, #tpu.memory_space<vmem_shared>>
    tpu.enqueue_dma source(%dma_start3A_83 : memref<4x4096xf32, #tpu.memory_space<vmem_shared>>) target(%dma_start3A_79 : memref<4x4096xf32, #tpu.memory_space<hbm>>) target_semaphore(%arg25 : memref<!tpu.dma_semaphore, #tpu.memory_space<semaphore_mem>>)
    %add3A_84 = arith.constant 256 : i32
    %add3A_85 = arith.addi %mul3A_2, %add3A_84 : i32
    %add3A_86 = arith.constant 252 : i32
    %add3A_87 = arith.addi %add3A_85, %add3A_86 : i32
    %dma_wait3A_88 = arith.constant 1 : i32
    %dma_wait3A_89 = arith.constant 0 : i32
    %dma_wait3A_90 = tpu.memref_slice %arg5[%add3A_87, %dma_wait3A_89] : memref<16384x4096xf32, #tpu.memory_space<hbm>> -> memref<4x4096xf32, #tpu.memory_space<hbm>>
    %dma_wait3A_91 = arith.constant 0 : i32
    %dma_wait3A_92 = arith.constant 0 : i32
    %dma_wait3A_93 = tpu.memref_slice %arg9[%arg1, %dma_wait3A_88, %dma_wait3A_91, %dma_wait3A_92] : memref<16x2x4x4096xf32, #tpu.memory_space<vmem_shared>> -> memref<1x1x4x4096xf32, #tpu.memory_space<vmem_shared>>
    %dma_wait3A_94 = tpu.memref_squeeze %dma_wait3A_93 : memref<1x1x4x4096xf32, #tpu.memory_space<vmem_shared>> -> memref<4x4096xf32, #tpu.memory_space<vmem_shared>>
    tpu.wait_dma2 semaphore(%arg25 : memref<!tpu.dma_semaphore, #tpu.memory_space<semaphore_mem>>) src(%dma_wait3A_94 : memref<4x4096xf32, #tpu.memory_space<vmem_shared>>) dst(%dma_wait3A_90 : memref<4x4096xf32, #tpu.memory_space<hbm>>)
    return
  }
}

</mosaic_0001>

<sc_bundles>
// kernel: _embed_gather.3.cloned.1.call-start
scs
__scs_entry_jumppad:
0x0: {  	(pc) =	sbr.rel $0x88, $3  }
0x1: {  	(tag) =	ssettag $0x0;
	lr =	simm.s32 $0x1  }
0x2: {  	[smem:$0x3F9E] =	sst lr;
	_ =	strace $0xD0000000  }
0x3: {  	_ = 	snop  }
0x4: {  	_ = 	snop  }
0x5: {  	_ = 	snop  }
0x6: {  	_ = 	snop  }
0x7: {  	_ = 	snop  }
__scs_overlays_trampoline_lowered:
0x8: {  	[smem:$0x3FAD] =	sst s0  }
0x9: {  	[smem:$0x3FAE] =	sst s1  }
0xa: {  	[smem:$0x3FAF] =	sst s2  }
0xb: {  	[smem:$0x3FB0] =	sst s3  }
0xc: {  	[smem:$0x3FB1] =	sst s4  }
0xd: {  	[smem:$0x3FB2] =	sst s5  }
0xe: {  	[smem:$0x3FB3] =	sst s6  }
0xf: {  	[smem:$0x3FB4] =	sst s7  }
0x10: {  	[smem:$0x3FB5] =	sst s8  }
0x11: {  	[smem:$0x3FB6] =	sst s9;
	s0 =	simm.s32 @!p0 $0x0  }
0x12: {  	s1 =	sld [smem:$0x3F9C];
	s0 =	simm.s32 @p0 $0x1  }
0x13: {  	[smem:$0x3FB7] =	sst s0;
	s0 =	simm.s32 @!p1 $0x0  }
0x14: {  	s2 =	sld [smem:$0x3F9B];
	s0 =	simm.s32 @p1 $0x1  }
0x15: {  	[smem:$0x3FB8] =	sst s0;
	s0 =	simm.s32 @!p2 $0x0  }
0x16: {  	s3 =	sld [smem:$0x3FDB];
	s0 =	simm.s32 @p2 $0x1  }
0x17: {  	s4 =	simm.s32 $0x1BF5;
	[smem:$0x3FBA] =	sst s0  }
0x18: {  	s0 =	sld [smem:$0x3F9D];
	_ =	swait.ge [sflag:s4], $0x0  }
0x19: {  	s7 =	sld [smem:$0x3F9E]  }
0x1a: {  	s8 =	sadd.s32 $0xFFFFE003, lr  }
0x1b: {  	s9 =	sadd.s32 $0xFFFFFEF7, lr;
	s5 =	simm.s32 $0xFFFFFFFF;
	p2 =	slt.u32 s8, $0xFFFFF086  }
0x1c: {  	p1 =	slt.u32 s9, $0xF7A;
	s5 =	simm.s32 @!p2 $0x0  }
0x1d: {  	s5 =	simm.s32 @p1 $0x1;
	p0 =	seq.s32 s7, s2  }
0x1e: {  	s7 =	smul.u32 @!p0 $0xF7A, s2;
	p2 =	seq.s32 @!p0 s5, $0x0  }
0x1f: {  	s9 =	smul.u32 $0xF7A, s1;
	s8 =	simm.s32 @!p0 $0x1BF5;
	p2 =	por !p2, p0  }
0x20: {  	[sflag:s8] =	ssyncset.s32 @!p0 $0xFFFFF086;
	s6 =	sadd.s32 @!p0 s3, s7;
	s7 =	simm.s32 @!p0 $0x108  }
0x21: {  	s3 =	sadd.s32 s3, s9;
	s6 =	sadd.s32 @!p0 $0x88, s6;
	s7 =	simm.s32 @p2 $0x1082  }
0x22: {  	[simem:s7], [sflag:s8] =	dma.local @!p0 [hbm:s6], $0xF7A  }
0x23: {  	s9 =	sor.u32 $0xD0000000, s2;
	s6 =	simm.s32 $0x108;
	_ =	swait.ge @!p0 [sflag:s8], $0x0  }
0x24: {  	s3 =	sadd.s32 $0x88, s3;
	s6 =	simm.s32 @!p1 $0x1082;
	[sflag:s4] =	ssyncset.s32 $0xFFFFF086  }
0x25: {  	[simem:s6], [sflag:s4] =	dma.local [hbm:s3], $0xF7A  }
0x26: {  	[smem:$0x3F9E] =	sst s1;
	(tag) =	ssettag s2;
	_ =	strace s9  }
0x27: {  	s1 =	sld [smem:$0x3FAE]  }
0x28: {  	s2 =	sld [smem:$0x3FAF]  }
0x29: {  	s4 =	sld [smem:$0x3FB1]  }
0x2a: {  	p0 =	seq.s32 s5, $0x0;
	s5 =	sld [smem:$0x3FB2]  }
0x2b: {  	s6 =	sld [smem:$0x3FB3]  }
0x2c: {  	s7 =	sld [smem:$0x3FB4]  }
0x2d: {  	s3 =	simm.s32 $0x108;
	s8 =	sld [smem:$0x3FB5]  }
0x2e: {  	s3 =	simm.s32 @!p0 $0x1082;
	s9 =	sld [smem:$0x3FB6]  }
0x2f: {  	lr =	sadd.s32 s0, s3;
	s0 =	sld [smem:$0x3FAD]  }
0x30: {  	s3 =	sld [smem:$0x3FB0]  }
0x31: {  	[smem:$0x3FB9] =	sst s10  }
0x32: {  	s10 =	sld [smem:$0x3FB7];
	_ =	sdelay $0x3  }
0x33: {  	p0 =	seq.s32 s10, $0x1;
	s10 =	sld [smem:$0x3FB9];
	_ =	sdelay $0x3  }
0x34: {  	[smem:$0x3FB9] =	sst s10  }
0x35: {  	s10 =	sld [smem:$0x3FB8];
	_ =	sdelay $0x3  }
0x36: {  	p1 =	seq.s32 s10, $0x1;
	s10 =	sld [smem:$0x3FB9];
	_ =	sdelay $0x3  }
0x37: {  	[smem:$0x3FB9] =	sst s10  }
0x38: {  	s10 =	sld [smem:$0x3FBA]  }
0x39: {  	_ = 	snop;
	(pc) =	sbr.ind lr, $3  }
0x3a: {  	_ = 	snop  }
0x3b: {  	_ = 	snop  }
0x3c: {  	p2 =	seq.s32 s10, $0x1;
	s10 =	sld [smem:$0x3FB9]  }
0x3d: {  	_ =	shalt  }
0x3e: {  	_ =	shalt  }
0x3f: {  	_ =	shalt  }
0x40: {  	_ =	shalt  }
0x41: {  	_ =	shalt  }
0x42: {  	_ =	shalt  }
0x43: {  	_ =	shalt  }
0x44: {  	_ =	shalt  }
0x45: {  	_ =	shalt  }
0x46: {  	_ =	shalt  }
0x47: {  	_ =	shalt  }
0x48: {  	_ =	shalt  }
0x49: {  	_ =	shalt  }
0x4a: {  	_ =	shalt  }
0x4b: {  	_ =	shalt  }
0x4c: {  	_ =	shalt  }
0x4d: {  	_ =	shalt  }
0x4e: {  	_ =	shalt  }
0x4f: {  	_ =	shalt  }
0x50: {  	_ =	shalt  }
0x51: {  	_ =	shalt  }
0x52: {  	_ =	shalt  }
0x53: {  	_ =	shalt  }
0x54: {  	_ =	shalt  }
0x55: {  	_ =	shalt  }
0x56: {  	_ =	shalt  }
0x57: {  	_ =	shalt  }
0x58: {  	_ =	shalt  }
0x59: {  	_ =	shalt  }
0x5a: {  	_ =	shalt  }
0x5b: {  	_ =	shalt  }
0x5c: {  	_ =	shalt  }
0x5d: {  	_ =	shalt  }
0x5e: {  	_ =	shalt  }
0x5f: {  	_ =	shalt  }
0x60: {  	_ =	shalt  }
0x61: {  	_ =	shalt  }
0x62: {  	_ =	shalt  }
0x63: {  	_ =	shalt  }
0x64: {  	_ =	shalt  }
0x65: {  	_ =	shalt  }
0x66: {  	_ =	shalt  }
0x67: {  	_ =	shalt  }
0x68: {  	_ =	shalt  }
0x69: {  	_ =	shalt  }
0x6a: {  	_ =	shalt  }
0x6b: {  	_ =	shalt  }
0x6c: {  	_ =	shalt  }
0x6d: {  	_ =	shalt  }
0x6e: {  	_ =	shalt  }
0x6f: {  	_ =	shalt  }
0x70: {  	_ =	shalt  }
0x71: {  	_ =	shalt  }
0x72: {  	_ =	shalt  }
0x73: {  	_ =	shalt  }
0x74: {  	_ =	shalt  }
0x75: {  	_ =	shalt  }
0x76: {  	_ =	shalt  }
0x77: {  	_ =	shalt  }
0x78: {  	_ =	shalt  }
0x79: {  	_ =	shalt  }
0x7a: {  	_ =	shalt  }
0x7b: {  	_ =	shalt  }
0x7c: {  	_ =	shalt  }
0x7d: {  	_ =	shalt  }
0x7e: {  	_ =	shalt  }
0x7f: {  	_ =	shalt  }
0x80: {  	_ =	shalt  }
0x81: {  	_ =	shalt  }
0x82: {  	_ =	shalt  }
0x83: {  	_ =	shalt  }
0x84: {  	_ =	shalt  }
0x85: {  	_ =	shalt  }
0x86: {  	_ =	shalt  }
0x87: {  	_ =	shalt  }
.Lfunc_end0:
.L_simem_size_0:
called_computation_lowered:
.L_overlay_start_0:
0x88: {  	s2 =	sld [smem:$0x3FD9]  }
0x89: {  	s3 =	sld [smem:$0x3FFE];
	_ =	sdelay $0x1  }
0x8a: {  	s1 =	srdreg.scid  }
0x8b: {  	s0 =	sand.u32 $0x1, s1  }
0x8c: {  	s17 =	sshll.u32 s0, $0xA;
	s2 =	sadd.s32 s3, s2  }
0x8d: {  	s2 =	sadd.s32 s2, s17  }
0x8e: {  	[smem:$0x3FC5] =	sst s2  }
0x8f: {  	_ = 	snop  }
0x90: {  	s2 =	sld [smem:$0x3FC8]  }
0x91: {  	s18 =	sld [smem:$0x3FC7]  }
0x92: {  	s4 =	sld [smem:$0x3FD0];
	(tm) =	ssettm $0x1  }
0x93: {  	s5 =	sld [smem:$0x3FFB];
	_ =	sdelay $0x3  }
0x94: {  	_ =	strace s5  }
0x95: {  	s5 =	sld [smem:$0x3FFC];
	_ =	sdelay $0x3  }
0x96: {  	_ =	strace s5  }
0x97: {  	s5 =	sld [smem:$0x3FFD];
	_ =	sdelay $0x3  }
0x98: {  	_ =	strace s5  }
0x99: {  	_ =	strace $0x8FFFFFFF  }
0x9a: {  	s19 =	sld [smem:$0x3FDB];
	_ =	sdelay $0x1  }
0x9b: {  	s6 =	simm.s32 $_scs_section_size  }
0x9c: {  	s7 =	simm.s32 $_size__tile_overlayer_lowered;
	s8 =	simm.s32 $_tile_overlayer_lowered  }
0x9d: {  	s22 =	simm.s32 $0x1BFF;
	s21 =	sshll.u32 s8, $0x1;
	s5 =	sadd.s32 s6, s19  }
0x9e: {  	s9 =	simm.s32 $0x0;
	s20 =	sshll.u32 s7, $0x1;
	s7 =	sadd.s32 s21, s5  }
0x9f: {  	[timem:s9], [sflag:s22] =	dma.local [hbm:s7], s20  }
0xa0: {  	_ =	swait.ge [sflag:s22], s20  }
0xa1: {  	s6 =	ssub.s32 $0x0, s20;
	[sflag:s22] =	ssyncset.done $0x0  }
0xa2: {  	[sflag:s22] =	ssyncadd.s32 s6;
	_ =	sdelay $0x1  }
0xa3: {  	s23 =	simm.s32 $0x1B8B  }
0xa4: {  	_ =	swait.ge [sflag:s23], $0x1  }
0xa5: {  	[sflag:s23] =	ssyncset.done $0x0  }
0xa6: {  	s25 =	simm.s32 $0x1B8E;
	s24 =	sld [smem:$0x3FFE];
	[sflag:s23] =	ssyncadd.s32 $0xFFFFFFFF  }
0xa7: {  	s26 =	simm.s32 $execute0_lowered;
	[smem:$0x3FD2] =	sst s25  }
0xa8: {  	s7 =	sshll.u32 s26, $0x1;
	_ =	strace $0x80000046;
	[dreg:$0x1] =	wrdreg $0xFFFFFFFF  }
0xa9: {  	s28 =	simm.s32 $_size_execute0_lowered;
	s5 =	sadd.s32 s5, s7;
	[dreg:$0x0] =	wrdreg $0x0  }
0xaa: {  	s7 =	sshll.u32 s28, $0x1;
	[dreg:$0x2] =	wrdreg s5  }
0xab: {  	[dreg:$0x3] =	wrdreg s7  }
0xac: {  	[dreg:$0x4] =	wrdreg $0xC0  }
0xad: {  	_ =	task [dreg:s9], $0x5FFFF  }
0xae: {  	[dreg:$0x1] =	wrdreg $0xFFFFFFFF  }
0xaf: {  	[dreg:$0x0] =	wrdreg $0x60  }
0xb0: {  	[dreg:$0x2] =	wrdreg s24  }
0xb1: {  	[dreg:$0x3] =	wrdreg s2  }
0xb2: {  	[dreg:$0x4] =	wrdreg s18  }
0xb3: {  	[dreg:$0x5] =	wrdreg s4  }
0xb4: {  	[dreg:$0x6] =	wrdreg $0x20000  }
0xb5: {  	[dreg:$0x7] =	wrdreg $0x21000  }
0xb6: {  	[dreg:$0x8] =	wrdreg $0x9  }
0xb7: {  	_ =	task.clear_ibuf [dreg:s9], $0x9FFFF;
	_ =	strace $0x90000046  }
0xb8: {  	s29 =	simm.s32 $0x9;
	_ =	strace $0x80000048  }
0xb9: {  	_ =	swait.ge [sflag:s29], $0x1  }
0xba: {  	[sflag:s29] =	ssyncadd.s32 $0xFFFFFFFF  }
0xbb: {  	_ =	strace $0x90000048  }
0xbc: {  	_ =	sfence  }
0xbd: {  	s30 =	sld [smem:$0x0];
	_ =	sdelay $0x2  }
0xbe: {  	s31 =	sshll.u32 s1, $0xD;
	s1 =	sshrl.u32 s1, $0x2  }
0xbf: {  	s3 =	sand.u32 $0x4000, s31;
	s1 =	sadd.s32 s1, s30  }
0xc0: {  	s0 =	sor.u32 s3, s0;
	s1 =	sshll.u32 s1, $0x11  }
0xc1: {  	s0 =	sor.u32 s1, s0  }
0xc2: {  	s0 =	sadd.s32 $0x8F2B, s0  }
0xc3: {  	[sflag:s0] =	ssyncadd.remote.s32 $0x1  }
0xc4: {  	_ =	sfence.sel $0xFFFF  }
0xc5: {  	[dreg:$0x0] =	wrdreg $0xFFFFFFFF;
	(pc) =	sbr.abs _section_cstart, $3  }
0xc6: {  	[dreg:$0x1] =	wrdreg $0xFFFFFFFF  }
0xc7: {  	_ =	task.clear_ibuf [dreg:s9], $0x2FFFF;
	_ =	strace $0x9FFFFFFF  }
0xc8: {  	(tm) =	ssettm $0x7FFFFFFF  }
0xc9: {  	_ =	shalt  }
tec
execute0_lowered:
.L_overlay_start_1:
0x0: {  	(tag) =	ssettag $0x1  }
0x1: {  	s0 =	rddreg [dreg:$0x0]  }
0x2: {  	s2 =	rddreg [dreg:$0x1]  }
0x3: {  	s1 =	rddreg [dreg:$0x2]  }
0x4: {  	s18 =	rddreg [dreg:$0x3]  }
0x5: {  	s3 =	rddreg [dreg:$0x4]  }
0x6: {  	s5 =	rddreg [dreg:$0x5];
	s4 =	srdreg.scid  }
0x7: {  	s17 =	stileid.u32;
	s28 =	simm.s32 $0x40;
	s7 =	sand.u32 $0x1, s4  }
0x8: {  	s6 =	sshll.u32 s17, $0x1;
	s4 =	simm.s32 $0x0;
	s14 =	sshll.u32 s17, $0x8  }
0x9: {  	s16 =	sshll.u32 s17, $0x7;
	s20 =	sshll.u32 s17, $0x6;
	s24 =	sadd.s32 $0x200, s1  }
0xa: {  	s25 =	sadd.s32 $0x400, s1;
	s26 =	sadd.s32 $0x600, s1;
	s12 =	sadd.s32 $0x800, s1  }
0xb: {  	s29 =	sshll.u32 s17, $0xF;
	s30 =	sadd.s32 $0x40, s18;
	s8 =	sor.u32 s7, s6  }
0xc: {  	s13 =	ssub.s32 $0x2, s7;
	[smem:$0x7FF] =	sst s4;
	s19 =	sand.u32 $0x380, s16  }
0xd: {  	s21 =	sand.u32 $0x300, s20;
	_ =	strace $0x80000047;
	[dreg:$0x1b] =	wrdreg s20  }
0xe: {  	s16 =	sadd.s32 $0xE00, s1;
	s6 =	sshll.u32 s17, $0x13;
	[dreg:$0x1c] =	wrdreg s24  }
0xf: {  	s9 =	sshll.u32 s8, $0xA;
	s10 =	sshrl.u32 s13, $0x1;
	[dreg:$0x1d] =	wrdreg s25  }
0x10: {  	s22 =	sshll.u32 s8, $0x4;
	s2 =	sadd.s32 s2, s21;
	[dreg:$0x1e] =	wrdreg s26  }
0x11: {  	s20 =	sadd.s32 s29, s5;
	[dreg:$0xb] =	wrdreg s30;
	s5 =	sshll.u32 s8, $0x12  }
0x12: {  	s8 =	sshll.u32 s7, $0x12;
	s29 =	sadd.s32 $0x20000, s18;
	s30 =	sadd.s32 $0x20040, s18  }
0x13: {  	s0 =	sadd.s32 s9, s0;
	s15 =	ssub.s32 s13, s10;
	[dreg:$0xa] =	wrdreg s20  }
0x14: {  	s23 =	sand.u32 $0x70, s22;
	s13 =	sadd.s32 $0xA00, s1;
	[dreg:$0x18] =	wrdreg s29  }
0x15: {  	s31 =	sadd.s32 $0x4080, s20;
	s24 =	sadd.s32 $0x100, s20;
	[dreg:$0x19] =	wrdreg s30  }
0x16: {  	s9 =	sadd.s32 $0x4100, s20;
	s25 =	sadd.s32 $0x180, s20;
	[dreg:$0x15] =	wrdreg s24  }
0x17: {  	s10 =	sadd.s32 $0x4180, s20;
	s26 =	sadd.s32 $0x4000, s20;
	[dreg:$0x16] =	wrdreg s25  }
0x18: {  	s0 =	sadd.s32 $0x400, s0;
	s15 =	smax.u32 s15, $0x1;
	[dreg:$0x17] =	wrdreg s26  }
0x19: {  	s21 =	sshrl.u32 s9, $0x3;
	s22 =	sshrl.u32 s10, $0x3;
	[dreg:$0x7] =	wrdreg s0  }
0x1a: {  	s9 =	simm.s32 $0x12100;
	s0 =	sand.u32 $0x800, s14;
	[dreg:$0xf] =	wrdreg s15  }
0x1b: {  	s10 =	simm.s32 $0x16100;
	[dreg:$0x12] =	wrdreg s21;
	s0 =	sadd.s32 s0, s3  }
0x1c: {  	[dreg:$0x13] =	wrdreg s22;
	s19 =	sadd.s32 s19, s0;
	s0 =	sadd.s32 s23, s2  }
0x1d: {  	s2 =	sadd.s32 s5, s18;
	s5 =	sor.u32 s8, s6;
	[dreg:$0x9] =	wrdreg s0  }
0x1e: {  	s26 =	simm.s32 $0xA100;
	s23 =	sadd.s32 $0x80, s20;
	[dreg:$0xc] =	wrdreg s5  }
0x1f: {  	s14 =	sadd.s32 $0xC00, s1;
	s3 =	simm.s32 $0x0;
	[dreg:$0x14] =	wrdreg s23  }
0x20: {  	s20 =	simm.s32 $0x80;
	s11 =	sadd.s32 $0x3F000, s2;
	[dreg:$0x8] =	wrdreg s19  }
.Ltmp0:
0x21: {  	s2 =	sadd.s32 $0x3F040, s2;
	[dreg:$0xd] =	wrdreg s11;
	(pc) =	sbr.rel .LBB2_1-.Ltmp0, $4  }
0x22: {  	s8 =	simm.s32 $0xA100;
	s0 =	sshrl.u32 s31, $0x3;
	[dreg:$0xe] =	wrdreg s2  }
0x23: {  	v0 =	vlaneseq.u32;
	s5 =	sadd.s32 s5, s18;
	s31 =	sadd.s32 $0x400, s19;
	[dreg:$0x11] =	wrdreg s0  }
0x24: {  	v1 =	vshrl.u32 v0, $0x2;
	s6 =	simm.s32 $0xE100;
	s17 =	sadd.s32 $0x1F000, s5;
	[dreg:$0x1a] =	wrdreg s31  }
0x25: {  	vm0 =	vmmov $0xffff;
	v0 =	vand.u32 $0x3, v0;
	v1 =	vmul.u32 $0x8, v1;
	s19 =	simm.s32 $0x1;
	s11 =	simm.s32 $0x4;
	[dreg:$0x10] =	wrdreg s17  }
.LBB2_4:
0x26: {  	s0 =	simm.s32 $0x6  }
0x27: {  	_ =	swait.ge [sflag:s0], $0x4000  }
0x28: {  	[sflag:s0] =	ssyncset.done $0x0  }
0x29: {  	s10 =	simm.s32 $0x7;
	[sflag:s0] =	ssyncadd.s32 $0xFFFFC000  }
0x2a: {  	_ =	swait.ge [sflag:s10], $0x4000  }
0x2b: {  	[sflag:s10] =	ssyncset.done $0x0  }
0x2c: {  	s17 =	simm.s32 $0x8;
	[sflag:s10] =	ssyncadd.s32 $0xFFFFC000  }
0x2d: {  	_ =	swait.ge [sflag:s17], $0x4000  }
0x2e: {  	[sflag:s17] =	ssyncset.done $0x0  }
0x2f: {  	s18 =	simm.s32 $0x9;
	[sflag:s17] =	ssyncadd.s32 $0xFFFFC000  }
0x30: {  	_ =	swait.ge [sflag:s18], $0x800  }
0x31: {  	s2 =	simm.s32 $0x4;
	[sflag:s18] =	ssyncset.done $0x0  }
0x32: {  	s23 =	simm.s32 $0xB;
	s22 =	rddreg [dreg:$0xd];
	[sflag:s18] =	ssyncadd.s32 $0xFFFFF800  }
0x33: {  	[hbm:s22@s20], [sflag:s21] =	dma.strided [spmem:s5@s28], $0x800, s2, $0x10   }
0x34: {  	_ =	swait.ge [sflag:s23], $0x800  }
0x35: {  	[sflag:s23] =	ssyncset.done $0x0  }
0x36: {  	s24 =	simm.s32 $0xA;
	[sflag:s23] =	ssyncadd.s32 $0xFFFFF800  }
0x37: {  	_ =	swait.ge [sflag:s24], $0x800  }
0x38: {  	[sflag:s24] =	ssyncset.done $0x0  }
0x39: {  	s30 =	simm.s32 $0xC;
	s25 =	rddreg [dreg:$0xe];
	[sflag:s24] =	ssyncadd.s32 $0xFFFFF800  }
0x3a: {  	[hbm:s25@s20], [sflag:s15] =	dma.strided [spmem:s29@s28], $0x800, s2, $0x10   }
0x3b: {  	_ =	swait.ge [sflag:s30], $0x800  }
0x3c: {  	s3 =	rddreg [dreg:$0x1f]  }
0x3d: {  	s31 =	rddreg [dreg:$0xf];
	s3 =	sadd.s32 $0x1, s3  }
0x3e: {  	p0 =	sne.s32 s3, s31  }
.Ltmp1:
0x3f: {  	_ = 	snop;
	(pc) =	sbr.rel @!p0 .LBB2_5-.Ltmp1, $3  }
0x40: {  	_ =	sdelay $0x1  }
0x41: {  	s8 =	simm.s32 $0xA100;
	s6 =	simm.s32 $0xE100;
	[sflag:s30] =	ssyncset.done $0x0  }
0x42: {  	s9 =	simm.s32 $0x12100;
	s10 =	simm.s32 $0x16100;
	[sflag:s30] =	ssyncadd.s32 $0xFFFFF800  }
.LBB2_1:
0x43: {  	[dreg:$0x1f] =	wrdreg s3  }
0x44: {  	s0 =	rddreg [dreg:$0x7];
	s22 =	simm.s32 $0xD  }
0x45: {  	[tilespmem:s4], [sflag:$0xD] =	stream.linear.gather [hbm4b:s0+s4], $0x2000, $0x38;
	[tilespmem:$0x1A100] =	vst v63  }
0x46: {  	_ =	swait.ge [sflag:s22], $0x2000  }
0x47: {  	s23 =	rddreg [dreg:$0x1b]  }
0x48: {  	s5 =	rddreg [dreg:$0x8]  }
0x49: {  	[sflag:s22] =	ssyncset.done $0x0;
	s7 =	rddreg [dreg:$0x9]  }
0x4a: {  	[sflag:s22] =	ssyncadd.s32 $0xFFFFE000;
	s0 =	sor.u32 $0x1C0D, s23;
	s2 =	sshrl.u32 s5, $0x3  }
0x4b: {  	[spmem:s2@s20], [sflag:s0] =	dma.strided [hbm:s7@s20], $0x20, s19, $0x10   }
0x4c: {  	_ =	swait.ge [sflag:s22], $0x20  }
0x4d: {  	[sflag:s22] =	ssyncset.done $0x0  }
0x4e: {  	[sflag:s22] =	ssyncadd.s32 $0xFFFFFFE0  }
0x4f: {  	[smem:s4], [sflag:$0xD] =	stream.linear.gather [spmem:s5], $0x80, $0x38;
	[tilespmem:$0x1A100] =	vst v63  }
0x50: {  	s24 =	rddreg [dreg:$0x1a]  }
0x51: {  	[smem:s20], [sflag:$0xD] =	stream.linear.gather [spmem:s24], $0x80, $0x38;
	[tilespmem:$0x1A100] =	vst v63  }
0x52: {  	_ =	swait.ge [sflag:s22], $0x100  }
0x53: {  	[sflag:s22] =	ssyncset.done $0x0  }
0x54: {  	[sflag:s22] =	ssyncadd.s32 $0xFFFFFF00  }
0x55: {  	v2 =	vld.msk [tilespmem:$0x0], $0xf;
	_ =	sdelay $0x4  }
0x56: {  	v3 =	vshll.u32 v2, $0x5  }
0x57: {  	v2 =	vand.u32 $0x7, v2;
	v3 =	vand.u32 $0xFFFFFF00, v3  }
0x58: {  	v2 =	vor.u32 v2, v3  }
0x59: {  	v2 =	vperm.xlane v2, v0;
	_ =	sdelay $0x1  }
0x5a: {  	v2 =	vadd.s32 v1, v2;
	_ =	sdelay $0x4  }
0x5b: {  	[tilespmem:s8], [sflag:$0x1] =	stream.indirect_vreg.gather [hbm4b:s1+s4], $0x80, v2, vm0, $0xb8;
	[tilespmem:$0x1A100] =	vst v63  }
0x5c: {  	s25 =	simm.s32 $0xA900;
	s2 =	rddreg [dreg:$0x1c]  }
0x5d: {  	[tilespmem:s25], [sflag:$0x1] =	stream.indirect_vreg.gather [hbm4b:s2+s4], $0x80, v2, vm0, $0xb8;
	[tilespmem:$0x1A100] =	vst v63  }
0x5e: {  	s29 =	simm.s32 $0xB100;
	s3 =	rddreg [dreg:$0x1d]  }
0x5f: {  	[tilespmem:s29], [sflag:$0x1] =	stream.indirect_vreg.gather [hbm4b:s3+s4], $0x80, v2, vm0, $0xb8;
	[tilespmem:$0x1A100] =	vst v63  }
0x60: {  	s30 =	simm.s32 $0xB900;
	s5 =	rddreg [dreg:$0x1e]  }
0x61: {  	[tilespmem:s30], [sflag:$0x1] =	stream.indirect_vreg.gather [hbm4b:s5+s4], $0x80, v2, vm0, $0xb8;
	[tilespmem:$0x1A100] =	vst v63  }
0x62: {  	s31 =	simm.s32 $0xC100  }
0x63: {  	[tilespmem:s31], [sflag:$0x1] =	stream.indirect_vreg.gather [hbm4b:s12+s4], $0x80, v2, vm0, $0xb8;
	[tilespmem:$0x1A100] =	vst v63  }
0x64: {  	s7 =	simm.s32 $0xC900  }
0x65: {  	[tilespmem:s7], [sflag:$0x1] =	stream.indirect_vreg.gather [hbm4b:s13+s4], $0x80, v2, vm0, $0xb8;
	[tilespmem:$0x1A100] =	vst v63  }
0x66: {  	s15 =	simm.s32 $0xD100  }
0x67: {  	[tilespmem:s15], [sflag:$0x1] =	stream.indirect_vreg.gather [hbm4b:s14+s4], $0x80, v2, vm0, $0xb8;
	[tilespmem:$0x1A100] =	vst v63  }
0x68: {  	s17 =	simm.s32 $0xD900  }
0x69: {  	[tilespmem:s17], [sflag:$0x1] =	stream.indirect_vreg.gather [hbm4b:s16+s4], $0x80, v2, vm0, $0xb8;
	[tilespmem:$0x1A100] =	vst v63  }
0x6a: {  	v2 =	vld.msk [tilespmem:$0x80], $0xf;
	_ =	sdelay $0x4  }
0x6b: {  	v3 =	vshll.u32 v2, $0x5  }
0x6c: {  	v2 =	vand.u32 $0x7, v2;
	v3 =	vand.u32 $0xFFFFFF00, v3  }
0x6d: {  	v2 =	vor.u32 v2, v3  }
0x6e: {  	v2 =	vperm.xlane v2, v0;
	_ =	sdelay $0x1  }
0x6f: {  	v2 =	vadd.s32 v1, v2;
	_ =	sdelay $0x4  }
0x70: {  	[tilespmem:s6], [sflag:$0x2] =	stream.indirect_vreg.gather [hbm4b:s1+s4], $0x80, v2, vm0, $0xb8;
	[tilespmem:$0x1A100] =	vst v63  }
0x71: {  	s18 =	simm.s32 $0xE900  }
0x72: {  	[tilespmem:s18], [sflag:$0x2] =	stream.indirect_vreg.gather [hbm4b:s2+s4], $0x80, v2, vm0, $0xb8;
	[tilespmem:$0x1A100] =	vst v63  }
0x73: {  	s21 =	simm.s32 $0xF100  }
0x74: {  	[tilespmem:s21], [sflag:$0x2] =	stream.indirect_vreg.gather [hbm4b:s3+s4], $0x80, v2, vm0, $0xb8;
	[tilespmem:$0x1A100] =	vst v63  }
0x75: {  	s22 =	simm.s32 $0xF900  }
0x76: {  	[tilespmem:s22], [sflag:$0x2] =	stream.indirect_vreg.gather [hbm4b:s5+s4], $0x80, v2, vm0, $0xb8;
	[tilespmem:$0x1A100] =	vst v63  }
0x77: {  	s23 =	simm.s32 $0x10100  }
0x78: {  	[tilespmem:s23], [sflag:$0x2] =	stream.indirect_vreg.gather [hbm4b:s12+s4], $0x80, v2, vm0, $0xb8;
	[tilespmem:$0x1A100] =	vst v63  }
0x79: {  	s24 =	simm.s32 $0x10900  }
0x7a: {  	[tilespmem:s24], [sflag:$0x2] =	stream.indirect_vreg.gather [hbm4b:s13+s4], $0x80, v2, vm0, $0xb8;
	[tilespmem:$0x1A100] =	vst v63  }
0x7b: {  	s25 =	simm.s32 $0x11100  }
0x7c: {  	[tilespmem:s25], [sflag:$0x2] =	stream.indirect_vreg.gather [hbm4b:s14+s4], $0x80, v2, vm0, $0xb8;
	[tilespmem:$0x1A100] =	vst v63  }
0x7d: {  	s29 =	simm.s32 $0x11900  }
0x7e: {  	[tilespmem:s29], [sflag:$0x2] =	stream.indirect_vreg.gather [hbm4b:s16+s4], $0x80, v2, vm0, $0xb8;
	[tilespmem:$0x1A100] =	vst v63  }
0x7f: {  	v2 =	vld.msk [tilespmem:$0x100], $0xf;
	_ =	sdelay $0x4  }
0x80: {  	v3 =	vshll.u32 v2, $0x5  }
0x81: {  	v2 =	vand.u32 $0x7, v2;
	v3 =	vand.u32 $0xFFFFFF00, v3  }
0x82: {  	v2 =	vor.u32 v2, v3  }
0x83: {  	v2 =	vperm.xlane v2, v0;
	_ =	sdelay $0x1  }
0x84: {  	v2 =	vadd.s32 v1, v2;
	_ =	sdelay $0x4  }
0x85: {  	[tilespmem:s9], [sflag:$0x3] =	stream.indirect_vreg.gather [hbm4b:s1+s4], $0x80, v2, vm0, $0xb8;
	[tilespmem:$0x1A100] =	vst v63  }
0x86: {  	s30 =	simm.s32 $0x12900  }
0x87: {  	[tilespmem:s30], [sflag:$0x3] =	stream.indirect_vreg.gather [hbm4b:s2+s4], $0x80, v2, vm0, $0xb8;
	[tilespmem:$0x1A100] =	vst v63  }
0x88: {  	s31 =	simm.s32 $0x13100  }
0x89: {  	[tilespmem:s31], [sflag:$0x3] =	stream.indirect_vreg.gather [hbm4b:s3+s4], $0x80, v2, vm0, $0xb8;
	[tilespmem:$0x1A100] =	vst v63  }
0x8a: {  	s7 =	simm.s32 $0x13900  }
0x8b: {  	[tilespmem:s7], [sflag:$0x3] =	stream.indirect_vreg.gather [hbm4b:s5+s4], $0x80, v2, vm0, $0xb8;
	[tilespmem:$0x1A100] =	vst v63  }
0x8c: {  	s15 =	simm.s32 $0x14100  }
0x8d: {  	[tilespmem:s15], [sflag:$0x3] =	stream.indirect_vreg.gather [hbm4b:s12+s4], $0x80, v2, vm0, $0xb8;
	[tilespmem:$0x1A100] =	vst v63  }
0x8e: {  	s17 =	simm.s32 $0x14900  }
0x8f: {  	[tilespmem:s17], [sflag:$0x3] =	stream.indirect_vreg.gather [hbm4b:s13+s4], $0x80, v2, vm0, $0xb8;
	[tilespmem:$0x1A100] =	vst v63  }
0x90: {  	s18 =	simm.s32 $0x15100  }
0x91: {  	[tilespmem:s18], [sflag:$0x3] =	stream.indirect_vreg.gather [hbm4b:s14+s4], $0x80, v2, vm0, $0xb8;
	[tilespmem:$0x1A100] =	vst v63  }
0x92: {  	s21 =	simm.s32 $0x15900  }
0x93: {  	[tilespmem:s21], [sflag:$0x3] =	stream.indirect_vreg.gather [hbm4b:s16+s4], $0x80, v2, vm0, $0xb8;
	[tilespmem:$0x1A100] =	vst v63  }
0x94: {  	v2 =	vld.msk [tilespmem:$0x180], $0xf;
	_ =	sdelay $0x4  }
0x95: {  	v3 =	vshll.u32 v2, $0x5  }
0x96: {  	v2 =	vand.u32 $0x7, v2;
	v3 =	vand.u32 $0xFFFFFF00, v3  }
0x97: {  	v2 =	vor.u32 v2, v3  }
0x98: {  	v2 =	vperm.xlane v2, v0;
	_ =	sdelay $0x1  }
0x99: {  	v2 =	vadd.s32 v1, v2;
	_ =	sdelay $0x4  }
0x9a: {  	[tilespmem:s10], [sflag:$0x4] =	stream.indirect_vreg.gather [hbm4b:s1+s4], $0x80, v2, vm0, $0xb8;
	[tilespmem:$0x1A100] =	vst v63  }
0x9b: {  	s22 =	simm.s32 $0x16900  }
0x9c: {  	[tilespmem:s22], [sflag:$0x4] =	stream.indirect_vreg.gather [hbm4b:s2+s4], $0x80, v2, vm0, $0xb8;
	[tilespmem:$0x1A100] =	vst v63  }
0x9d: {  	s23 =	simm.s32 $0x17100  }
0x9e: {  	[tilespmem:s23], [sflag:$0x4] =	stream.indirect_vreg.gather [hbm4b:s3+s4], $0x80, v2, vm0, $0xb8;
	[tilespmem:$0x1A100] =	vst v63  }
0x9f: {  	s24 =	simm.s32 $0x17900  }
0xa0: {  	[tilespmem:s24], [sflag:$0x4] =	stream.indirect_vreg.gather [hbm4b:s5+s4], $0x80, v2, vm0, $0xb8;
	[tilespmem:$0x1A100] =	vst v63  }
0xa1: {  	s25 =	simm.s32 $0x18100  }
0xa2: {  	[tilespmem:s25], [sflag:$0x4] =	stream.indirect_vreg.gather [hbm4b:s12+s4], $0x80, v2, vm0, $0xb8;
	[tilespmem:$0x1A100] =	vst v63  }
0xa3: {  	s29 =	simm.s32 $0x18900  }
0xa4: {  	[tilespmem:s29], [sflag:$0x4] =	stream.indirect_vreg.gather [hbm4b:s13+s4], $0x80, v2, vm0, $0xb8;
	[tilespmem:$0x1A100] =	vst v63  }
0xa5: {  	s30 =	simm.s32 $0x19100;
	s31 =	simm.s32 $0x19900  }
0xa6: {  	[tilespmem:s30], [sflag:$0x4] =	stream.indirect_vreg.gather [hbm4b:s14+s4], $0x80, v2, vm0, $0xb8;
	[tilespmem:$0x1A100] =	vst v63  }
0xa7: {  	s7 =	simm.s32 $0x0;
	s22 =	simm.s32 $0x380;
	s2 =	simm.s32 $0x8  }
0xa8: {  	[tilespmem:s31], [sflag:$0x4] =	stream.indirect_vreg.gather [hbm4b:s16+s4], $0x80, v2, vm0, $0xb8;
	[tilespmem:$0x1A100] =	vst v63  }
.LBB2_2:
0xa9: {  	_ =	swait.ge [sflag:s19], $0x4000  }
0xaa: {  	s0 =	rddreg [dreg:$0xc];
	[sflag:s19] =	ssyncset.done $0x0  }
0xab: {  	s0 =	sadd.s32 s7, s0;
	[sflag:s19] =	ssyncadd.s32 $0xFFFFC000  }
0xac: {  	s3 =	simm.s32 $0x200;
	s18 =	sand.u32 $0x1FFDE000, s0;
	s15 =	rddreg [dreg:$0x3]  }
0xad: {  	s21 =	simm.s32 $0x400;
	s23 =	simm.s32 $0x2;
	s5 =	sadd.s32 s15, s18  }
0xae: {  	[hbm4b:s5+s3] =	stream.strided.scatter [tilespmem:s8], [sflag:$0x5], $0x4000, s21, s3, $0x38;
	[tilespmem:$0x1A100] =	vst v63  }
0xaf: {  	_ =	swait.ge [sflag:s23], $0x4000  }
0xb0: {  	[sflag:s23] =	ssyncset.done $0x0;
	s17 =	rddreg [dreg:$0xb]  }
0xb1: {  	s25 =	simm.s32 $0x3;
	[sflag:s23] =	ssyncadd.s32 $0xFFFFC000;
	s24 =	sadd.s32 s18, s17  }
0xb2: {  	[hbm4b:s24+s3] =	stream.strided.scatter [tilespmem:s6], [sflag:$0x6], $0x4000, s21, s3, $0x38;
	[tilespmem:$0x1A100] =	vst v63  }
0xb3: {  	s30 =	sadd.s32 $0x1000, s0;
	_ =	swait.ge [sflag:s25], $0x4000  }
0xb4: {  	s5 =	sand.u32 $0x1FFDF000, s30;
	[sflag:s25] =	ssyncset.done $0x0  }
0xb5: {  	s5 =	sadd.s32 s15, s5;
	[sflag:s25] =	ssyncadd.s32 $0xFFFFC000  }
0xb6: {  	[hbm4b:s5+s3] =	stream.strided.scatter [tilespmem:s9], [sflag:$0x7], $0x4000, s21, s3, $0x38;
	[tilespmem:$0x1A100] =	vst v63  }
0xb7: {  	s0 =	sadd.s32 $0x1800, s0;
	_ =	swait.ge [sflag:s11], $0x4000  }
0xb8: {  	s0 =	sand.u32 $0x1FFDF000, s0;
	[sflag:s11] =	ssyncset.done $0x0  }
0xb9: {  	p0 =	seq.s32 s7, $0x0;
	s0 =	sadd.s32 s0, s17;
	[sflag:s11] =	ssyncadd.s32 $0xFFFFC000  }
0xba: {  	[hbm4b:s0+s3] =	stream.strided.scatter [tilespmem:s10], [sflag:$0x8], $0x4000, s21, s3, $0x38;
	[tilespmem:$0x1A100] =	vst v63  }
0xbb: {  	s0 =	simm.s32 @!p0 $0x9  }
0xbc: {  	_ =	swait.ge @!p0 [sflag:s0], $0x800  }
0xbd: {  	s29 =	simm.s32 @!p0 $0x4;
	s24 =	simm.s32 @!p0 $0x80;
	[sflag:s0] =	ssyncset.done @!p0 $0x0  }
0xbe: {  	s5 =	rddreg [dreg:$0x10];
	[sflag:s0] =	ssyncadd.s32 @!p0 $0xFFFFF800;
	s0 =	stileid.u32  }
0xbf: {  	s25 =	simm.s32 @!p0 $0x40;
	s17 =	rddreg [dreg:$0xa];
	s0 =	sshll.u32 @!p0 s0, $0x6  }
0xc0: {  	s21 =	sadd.s32 @!p0 s7, s5;
	s15 =	sshrl.u32 @!p0 s17, $0x3;
	s5 =	sor.u32 @!p0 $0x1C0B, s0  }
0xc1: {  	[hbm:s21@s24], [sflag:s5] =	dma.strided @!p0 [spmem:s15@s25], $0x800, s29, $0x10   }
0xc2: {  	s5 =	simm.s32 @!p0 $0xB  }
0xc3: {  	_ =	swait.ge @!p0 [sflag:s5], $0x800  }
0xc4: {  	[sflag:s5] =	ssyncset.done @!p0 $0x0  }
0xc5: {  	[sflag:s5] =	ssyncadd.s32 @!p0 $0xFFFFF800  }
0xc6: {  	s5 =	sld [smem:s2+$0xFFFFFFF8];
	_ =	sdelay $0x2  }
0xc7: {  	s31 =	sshll.u32 s5, $0xC;
	s5 =	sshll.u32 s5, $0x7  }
0xc8: {  	s15 =	sand.u32 $0xFFFF8000, s31;
	s5 =	sand.u32 $0x380, s5  }
0xc9: {  	s5 =	sor.u32 s5, s15  }
0xca: {  	s9 =	rddreg [dreg:$0x1b];
	s5 =	sshrl.u32 s5, $0x3  }
0xcb: {  	s31 =	sor.u32 $0x1C09, s9;
	s3 =	sadd.s32 s1, s5;
	s5 =	sshrl.u32 s17, $0x3  }
0xcc: {  	[spmem:s5@s28], [sflag:s31] =	dma.strided [hbm:s3@s20], $0x200, s19, $0x10   }
0xcd: {  	s15 =	sld [smem:s2+$0xFFFFFFF9];
	_ =	sdelay $0x2  }
0xce: {  	s8 =	sshll.u32 s15, $0xC;
	s15 =	sshll.u32 s15, $0x7  }
0xcf: {  	s17 =	sand.u32 $0xFFFF8000, s8;
	s15 =	sand.u32 $0x380, s15  }
0xd0: {  	s15 =	sor.u32 s15, s17  }
0xd1: {  	s30 =	rddreg [dreg:$0x14];
	s15 =	sshrl.u32 s15, $0x3  }
0xd2: {  	s23 =	sadd.s32 s1, s15;
	s15 =	sshrl.u32 s30, $0x3  }
0xd3: {  	[spmem:s15@s28], [sflag:s31] =	dma.strided [hbm:s23@s20], $0x200, s19, $0x10   }
0xd4: {  	s17 =	sld [smem:s2+$0xFFFFFFFA];
	_ =	sdelay $0x2  }
0xd5: {  	s23 =	sshll.u32 s17, $0xC;
	s17 =	sshll.u32 s17, $0x7  }
0xd6: {  	s23 =	sand.u32 $0xFFFF8000, s23;
	s17 =	sand.u32 $0x380, s17  }
0xd7: {  	s17 =	sor.u32 s17, s23  }
0xd8: {  	s30 =	rddreg [dreg:$0x15];
	s17 =	sshrl.u32 s17, $0x3  }
0xd9: {  	s8 =	sadd.s32 s1, s17;
	s17 =	sshrl.u32 s30, $0x3  }
0xda: {  	[spmem:s17@s28], [sflag:s31] =	dma.strided [hbm:s8@s20], $0x200, s19, $0x10   }
0xdb: {  	s23 =	sld [smem:s2+$0xFFFFFFFB];
	_ =	sdelay $0x2  }
0xdc: {  	s30 =	sshll.u32 s23, $0xC;
	s23 =	sshll.u32 s23, $0x7  }
0xdd: {  	s30 =	sand.u32 $0xFFFF8000, s30;
	s23 =	sand.u32 $0x380, s23  }
0xde: {  	s23 =	sor.u32 s23, s30  }
0xdf: {  	s23 =	sshrl.u32 s23, $0x3  }
0xe0: {  	s8 =	sadd.s32 s1, s23;
	s23 =	rddreg [dreg:$0x16]  }
0xe1: {  	s30 =	simm.s32 @!p0 $0xA;
	s23 =	sshrl.u32 s23, $0x3  }
0xe2: {  	[spmem:s23@s28], [sflag:s31] =	dma.strided [hbm:s8@s20], $0x200, s19, $0x10   }
0xe3: {  	_ =	swait.ge @!p0 [sflag:s30], $0x800  }
0xe4: {  	s0 =	sor.u32 @!p0 $0x1C0C, s0;
	[sflag:s30] =	ssyncset.done @!p0 $0x0;
	s3 =	rddreg [dreg:$0x17]  }
0xe5: {  	s21 =	sadd.s32 @!p0 $0x40, s21;
	[sflag:s30] =	ssyncadd.s32 @!p0 $0xFFFFF800;
	s30 =	sshrl.u32 @!p0 s3, $0x3  }
0xe6: {  	[hbm:s21@s24], [sflag:s0] =	dma.strided @!p0 [spmem:s30@s25], $0x800, s29, $0x10   }
0xe7: {  	s0 =	simm.s32 @!p0 $0xC  }
0xe8: {  	_ =	swait.ge @!p0 [sflag:s0], $0x800  }
0xe9: {  	[sflag:s0] =	ssyncset.done @!p0 $0x0  }
0xea: {  	[sflag:s0] =	ssyncadd.s32 @!p0 $0xFFFFF800  }
0xeb: {  	s0 =	sld [smem:s2+$0xFFFFFFFC];
	_ =	sdelay $0x2  }
0xec: {  	s25 =	sshll.u32 s0, $0xC;
	s0 =	sshll.u32 s0, $0x7  }
0xed: {  	s21 =	sand.u32 $0xFFFF8000, s25;
	s0 =	sand.u32 $0x380, s0  }
0xee: {  	s0 =	sor.u32 s0, s21  }
0xef: {  	s0 =	sshrl.u32 s0, $0x3  }
0xf0: {  	s29 =	sshrl.u32 s3, $0x3;
	s30 =	sadd.s32 s1, s0;
	s0 =	sor.u32 $0x1C0A, s9  }
0xf1: {  	[spmem:s29@s28], [sflag:s0] =	dma.strided [hbm:s30@s20], $0x200, s19, $0x10   }
0xf2: {  	s21 =	sld [smem:s2+$0xFFFFFFFD];
	_ =	sdelay $0x2  }
0xf3: {  	s8 =	sshll.u32 s21, $0xC;
	s21 =	sshll.u32 s21, $0x7  }
0xf4: {  	s24 =	sand.u32 $0xFFFF8000, s8;
	s21 =	sand.u32 $0x380, s21  }
0xf5: {  	s21 =	sor.u32 s21, s24  }
0xf6: {  	s21 =	sshrl.u32 s21, $0x3  }
0xf7: {  	s30 =	rddreg [dreg:$0x11];
	s21 =	sadd.s32 s1, s21  }
0xf8: {  	[spmem:s30@s28], [sflag:s0] =	dma.strided [hbm:s21@s20], $0x200, s19, $0x10   }
0xf9: {  	s21 =	sld [smem:s2+$0xFFFFFFFE];
	_ =	sdelay $0x2  }
0xfa: {  	s25 =	sshll.u32 s21, $0xC;
	s21 =	sshll.u32 s21, $0x7  }
0xfb: {  	s24 =	sand.u32 $0xFFFF8000, s25;
	s21 =	sand.u32 $0x380, s21  }
0xfc: {  	s21 =	sor.u32 s21, s24  }
0xfd: {  	s21 =	sshrl.u32 s21, $0x3  }
0xfe: {  	s8 =	rddreg [dreg:$0x12];
	s21 =	sadd.s32 s1, s21  }
0xff: {  	[spmem:s8@s28], [sflag:s0] =	dma.strided [hbm:s21@s20], $0x200, s19, $0x10   }
0x100: {  	s21 =	sld [smem:s2+$0xFFFFFFFF];
	_ =	sdelay $0x2  }
0x101: {  	s3 =	sshll.u32 s21, $0xC;
	s21 =	sshll.u32 s21, $0x7  }
0x102: {  	s24 =	sand.u32 $0xFFFF8000, s3;
	s21 =	sand.u32 $0x380, s21  }
0x103: {  	s21 =	sor.u32 s21, s24  }
0x104: {  	s21 =	sshrl.u32 s21, $0x3  }
0x105: {  	s25 =	simm.s32 $0x9;
	s3 =	rddreg [dreg:$0x13];
	s21 =	sadd.s32 s1, s21  }
0x106: {  	[spmem:s3@s28], [sflag:s0] =	dma.strided [hbm:s21@s20], $0x200, s19, $0x10   }
0x107: {  	_ =	swait.ge [sflag:s25], $0x800  }
0x108: {  	[sflag:s25] =	ssyncset.done $0x0;
	s24 =	rddreg [dreg:$0x18]  }
0x109: {  	s21 =	sor.u32 $0x1C0B, s9;
	[sflag:s25] =	ssyncadd.s32 $0xFFFFF800;
	s25 =	sadd.s32 s18, s24  }
0x10a: {  	[hbm:s25@s20], [sflag:s21] =	dma.strided [spmem:s5@s28], $0x800, s11, $0x10   }
0x10b: {  	s25 =	simm.s32 $0xB  }
0x10c: {  	_ =	swait.ge [sflag:s25], $0x800  }
0x10d: {  	[sflag:s25] =	ssyncset.done $0x0  }
0x10e: {  	[sflag:s25] =	ssyncadd.s32 $0xFFFFF800  }
0x10f: {  	s24 =	sld [smem:s2+$0x0];
	_ =	sdelay $0x2  }
0x110: {  	s25 =	sshll.u32 s24, $0xC;
	s24 =	sshll.u32 s24, $0x7  }
0x111: {  	s25 =	sand.u32 $0xFFFF8000, s25;
	s24 =	sand.u32 $0x380, s24  }
0x112: {  	s24 =	sor.u32 s24, s25  }
0x113: {  	s24 =	sshrl.u32 s24, $0x3  }
0x114: {  	s24 =	sadd.s32 s1, s24  }
0x115: {  	[spmem:s5@s28], [sflag:s31] =	dma.strided [hbm:s24@s20], $0x200, s19, $0x10   }
0x116: {  	s24 =	sld [smem:s2+$0x1];
	_ =	sdelay $0x2  }
0x117: {  	s25 =	sshll.u32 s24, $0xC;
	s24 =	sshll.u32 s24, $0x7  }
0x118: {  	s25 =	sand.u32 $0xFFFF8000, s25;
	s24 =	sand.u32 $0x380, s24  }
0x119: {  	s24 =	sor.u32 s24, s25  }
0x11a: {  	s24 =	sshrl.u32 s24, $0x3  }
0x11b: {  	s24 =	sadd.s32 s1, s24  }
0x11c: {  	[spmem:s15@s28], [sflag:s31] =	dma.strided [hbm:s24@s20], $0x200, s19, $0x10   }
0x11d: {  	s15 =	sld [smem:s2+$0x2];
	_ =	sdelay $0x2  }
0x11e: {  	s25 =	sshll.u32 s15, $0xC;
	s15 =	sshll.u32 s15, $0x7  }
0x11f: {  	s24 =	sand.u32 $0xFFFF8000, s25;
	s15 =	sand.u32 $0x380, s15  }
0x120: {  	s15 =	sor.u32 s15, s24  }
0x121: {  	s15 =	sshrl.u32 s15, $0x3  }
0x122: {  	s15 =	sadd.s32 s1, s15  }
0x123: {  	[spmem:s17@s28], [sflag:s31] =	dma.strided [hbm:s15@s20], $0x200, s19, $0x10   }
0x124: {  	s15 =	sld [smem:s2+$0x3];
	_ =	sdelay $0x2  }
0x125: {  	s25 =	sshll.u32 s15, $0xC;
	s15 =	sshll.u32 s15, $0x7  }
0x126: {  	s17 =	sand.u32 $0xFFFF8000, s25;
	s15 =	sand.u32 $0x380, s15  }
0x127: {  	s15 =	sor.u32 s15, s17  }
0x128: {  	s15 =	sshrl.u32 s15, $0x3  }
0x129: {  	s24 =	simm.s32 $0xA;
	s15 =	sadd.s32 s1, s15  }
0x12a: {  	[spmem:s23@s28], [sflag:s31] =	dma.strided [hbm:s15@s20], $0x200, s19, $0x10   }
0x12b: {  	_ =	swait.ge [sflag:s24], $0x800  }
0x12c: {  	s17 =	simm.s32 $0xC;
	[sflag:s24] =	ssyncset.done $0x0;
	s25 =	rddreg [dreg:$0x19]  }
0x12d: {  	s15 =	sor.u32 $0x1C0C, s9;
	[sflag:s24] =	ssyncadd.s32 $0xFFFFF800;
	s31 =	sadd.s32 s18, s25  }
0x12e: {  	[hbm:s31@s20], [sflag:s15] =	dma.strided [spmem:s29@s28], $0x800, s11, $0x10   }
0x12f: {  	_ =	swait.ge [sflag:s17], $0x800  }
0x130: {  	[sflag:s17] =	ssyncset.done $0x0  }
0x131: {  	[sflag:s17] =	ssyncadd.s32 $0xFFFFF800  }
0x132: {  	s18 =	sld [smem:s2+$0x4];
	_ =	sdelay $0x2  }
0x133: {  	s23 =	sshll.u32 s18, $0xC;
	s17 =	sshll.u32 s18, $0x7  }
0x134: {  	s18 =	sand.u32 $0xFFFF8000, s23;
	s17 =	sand.u32 $0x380, s17  }
0x135: {  	s17 =	sor.u32 s17, s18  }
0x136: {  	s17 =	sshrl.u32 s17, $0x3  }
0x137: {  	s17 =	sadd.s32 s1, s17  }
0x138: {  	[spmem:s29@s28], [sflag:s0] =	dma.strided [hbm:s17@s20], $0x200, s19, $0x10   }
0x139: {  	s17 =	sld [smem:s2+$0x5];
	_ =	sdelay $0x2  }
0x13a: {  	s24 =	sshll.u32 s17, $0xC;
	s17 =	sshll.u32 s17, $0x7  }
0x13b: {  	s18 =	sand.u32 $0xFFFF8000, s24;
	s17 =	sand.u32 $0x380, s17  }
0x13c: {  	s17 =	sor.u32 s17, s18  }
0x13d: {  	s17 =	sshrl.u32 s17, $0x3  }
0x13e: {  	s17 =	sadd.s32 s1, s17  }
0x13f: {  	[spmem:s30@s28], [sflag:s0] =	dma.strided [hbm:s17@s20], $0x200, s19, $0x10   }
0x140: {  	s17 =	sld [smem:s2+$0x6];
	_ =	sdelay $0x2  }
0x141: {  	s25 =	sshll.u32 s17, $0xC;
	s17 =	sshll.u32 s17, $0x7  }
0x142: {  	s18 =	sand.u32 $0xFFFF8000, s25;
	s17 =	sand.u32 $0x380, s17  }
0x143: {  	s17 =	sor.u32 s17, s18  }
0x144: {  	s17 =	sshrl.u32 s17, $0x3  }
0x145: {  	s17 =	sadd.s32 s1, s17  }
0x146: {  	[spmem:s8@s28], [sflag:s0] =	dma.strided [hbm:s17@s20], $0x200, s19, $0x10   }
0x147: {  	s17 =	sld [smem:s2+$0x7];
	_ =	sdelay $0x2  }
0x148: {  	s30 =	sshll.u32 s17, $0xC;
	s17 =	sshll.u32 s17, $0x7  }
0x149: {  	s18 =	sand.u32 $0xFFFF8000, s30;
	s17 =	sand.u32 $0x380, s17  }
0x14a: {  	s17 =	sor.u32 s17, s18  }
0x14b: {  	p0 =	seq.s32 s7, $0x1E000;
	s17 =	sshrl.u32 s17, $0x3  }
.Ltmp2:
0x14c: {  	s31 =	simm.s32 $0x5;
	s17 =	sadd.s32 s1, s17;
	(pc) =	sbr.rel @p0 .LBB2_4-.Ltmp2, $4  }
0x14d: {  	[spmem:s3@s28], [sflag:s0] =	dma.strided [hbm:s17@s20], $0x200, s19, $0x10   }
0x14e: {  	_ =	swait.ge [sflag:s31], $0x4000  }
0x14f: {  	[sflag:s31] =	ssyncset.done $0x0  }
0x150: {  	s6 =	simm.s32 $0xE100;
	s10 =	simm.s32 $0x12100;
	[sflag:s31] =	ssyncadd.s32 $0xFFFFC000  }
0x151: {  	v2 =	vld.msk [tilespmem:s22+$0xFFFFFE80], $0xf;
	_ =	sdelay $0x4  }
0x152: {  	v3 =	vshll.u32 v2, $0x5  }
0x153: {  	v2 =	vand.u32 $0x7, v2;
	v3 =	vand.u32 $0xFFFFFF00, v3  }
0x154: {  	v2 =	vor.u32 v2, v3  }
0x155: {  	v2 =	vperm.xlane v2, v0;
	_ =	sdelay $0x1  }
0x156: {  	v2 =	vadd.s32 v1, v2;
	_ =	sdelay $0x4  }
0x157: {  	[tilespmem:s26], [sflag:$0x1] =	stream.indirect_vreg.gather [hbm4b:s1+s4], $0x80, v2, vm0, $0xb8;
	[tilespmem:$0x1A100] =	vst v63  }
0x158: {  	s0 =	simm.s32 $0xA900;
	s3 =	rddreg [dreg:$0x1c]  }
0x159: {  	[tilespmem:s0], [sflag:$0x1] =	stream.indirect_vreg.gather [hbm4b:s3+s4], $0x80, v2, vm0, $0xb8;
	[tilespmem:$0x1A100] =	vst v63  }
0x15a: {  	s21 =	simm.s32 $0xB100;
	s5 =	rddreg [dreg:$0x1d]  }
0x15b: {  	[tilespmem:s21], [sflag:$0x1] =	stream.indirect_vreg.gather [hbm4b:s5+s4], $0x80, v2, vm0, $0xb8;
	[tilespmem:$0x1A100] =	vst v63  }
0x15c: {  	s23 =	simm.s32 $0xB900;
	s8 =	rddreg [dreg:$0x1e]  }
0x15d: {  	[tilespmem:s23], [sflag:$0x1] =	stream.indirect_vreg.gather [hbm4b:s8+s4], $0x80, v2, vm0, $0xb8;
	[tilespmem:$0x1A100] =	vst v63  }
0x15e: {  	s24 =	simm.s32 $0xC100  }
0x15f: {  	[tilespmem:s24], [sflag:$0x1] =	stream.indirect_vreg.gather [hbm4b:s12+s4], $0x80, v2, vm0, $0xb8;
	[tilespmem:$0x1A100] =	vst v63  }
0x160: {  	s25 =	simm.s32 $0xC900  }
0x161: {  	[tilespmem:s25], [sflag:$0x1] =	stream.indirect_vreg.gather [hbm4b:s13+s4], $0x80, v2, vm0, $0xb8;
	[tilespmem:$0x1A100] =	vst v63  }
0x162: {  	s29 =	simm.s32 $0xD100  }
0x163: {  	[tilespmem:s29], [sflag:$0x1] =	stream.indirect_vreg.gather [hbm4b:s14+s4], $0x80, v2, vm0, $0xb8;
	[tilespmem:$0x1A100] =	vst v63  }
0x164: {  	s30 =	simm.s32 $0xD900;
	s31 =	simm.s32 $0x6  }
0x165: {  	[tilespmem:s30], [sflag:$0x1] =	stream.indirect_vreg.gather [hbm4b:s16+s4], $0x80, v2, vm0, $0xb8;
	[tilespmem:$0x1A100] =	vst v63  }
0x166: {  	_ =	swait.ge [sflag:s31], $0x4000  }
0x167: {  	[sflag:s31] =	ssyncset.done $0x0  }
0x168: {  	[sflag:s31] =	ssyncadd.s32 $0xFFFFC000  }
0x169: {  	v2 =	vld.msk [tilespmem:s22+$0xFFFFFF00], $0xf;
	_ =	sdelay $0x4  }
0x16a: {  	v3 =	vshll.u32 v2, $0x5  }
0x16b: {  	v2 =	vand.u32 $0x7, v2;
	v3 =	vand.u32 $0xFFFFFF00, v3  }
0x16c: {  	v2 =	vor.u32 v2, v3  }
0x16d: {  	v2 =	vperm.xlane v2, v0;
	_ =	sdelay $0x1  }
0x16e: {  	v2 =	vadd.s32 v1, v2;
	_ =	sdelay $0x4  }
0x16f: {  	[tilespmem:s6], [sflag:$0x2] =	stream.indirect_vreg.gather [hbm4b:s1+s4], $0x80, v2, vm0, $0xb8;
	[tilespmem:$0x1A100] =	vst v63  }
0x170: {  	s9 =	simm.s32 $0xE900  }
0x171: {  	[tilespmem:s9], [sflag:$0x2] =	stream.indirect_vreg.gather [hbm4b:s3+s4], $0x80, v2, vm0, $0xb8;
	[tilespmem:$0x1A100] =	vst v63  }
0x172: {  	s15 =	simm.s32 $0xF100  }
0x173: {  	[tilespmem:s15], [sflag:$0x2] =	stream.indirect_vreg.gather [hbm4b:s5+s4], $0x80, v2, vm0, $0xb8;
	[tilespmem:$0x1A100] =	vst v63  }
0x174: {  	s17 =	simm.s32 $0xF900  }
0x175: {  	[tilespmem:s17], [sflag:$0x2] =	stream.indirect_vreg.gather [hbm4b:s8+s4], $0x80, v2, vm0, $0xb8;
	[tilespmem:$0x1A100] =	vst v63  }
0x176: {  	s18 =	simm.s32 $0x10100  }
0x177: {  	[tilespmem:s18], [sflag:$0x2] =	stream.indirect_vreg.gather [hbm4b:s12+s4], $0x80, v2, vm0, $0xb8;
	[tilespmem:$0x1A100] =	vst v63  }
0x178: {  	s21 =	simm.s32 $0x10900  }
0x179: {  	[tilespmem:s21], [sflag:$0x2] =	stream.indirect_vreg.gather [hbm4b:s13+s4], $0x80, v2, vm0, $0xb8;
	[tilespmem:$0x1A100] =	vst v63  }
0x17a: {  	s23 =	simm.s32 $0x11100  }
0x17b: {  	[tilespmem:s23], [sflag:$0x2] =	stream.indirect_vreg.gather [hbm4b:s14+s4], $0x80, v2, vm0, $0xb8;
	[tilespmem:$0x1A100] =	vst v63  }
0x17c: {  	s24 =	simm.s32 $0x11900;
	s25 =	simm.s32 $0x7  }
0x17d: {  	[tilespmem:s24], [sflag:$0x2] =	stream.indirect_vreg.gather [hbm4b:s16+s4], $0x80, v2, vm0, $0xb8;
	[tilespmem:$0x1A100] =	vst v63  }
0x17e: {  	_ =	swait.ge [sflag:s25], $0x4000  }
0x17f: {  	[sflag:s25] =	ssyncset.done $0x0  }
0x180: {  	[sflag:s25] =	ssyncadd.s32 $0xFFFFC000  }
0x181: {  	v2 =	vld.msk [tilespmem:s22+$0xFFFFFF80], $0xf;
	_ =	sdelay $0x4  }
0x182: {  	v3 =	vshll.u32 v2, $0x5  }
0x183: {  	v2 =	vand.u32 $0x7, v2;
	v3 =	vand.u32 $0xFFFFFF00, v3  }
0x184: {  	v2 =	vor.u32 v2, v3  }
0x185: {  	v2 =	vperm.xlane v2, v0;
	_ =	sdelay $0x1  }
0x186: {  	v2 =	vadd.s32 v1, v2;
	_ =	sdelay $0x4  }
0x187: {  	[tilespmem:s10], [sflag:$0x3] =	stream.indirect_vreg.gather [hbm4b:s1+s4], $0x80, v2, vm0, $0xb8;
	[tilespmem:$0x1A100] =	vst v63  }
0x188: {  	s29 =	simm.s32 $0x12900  }
0x189: {  	[tilespmem:s29], [sflag:$0x3] =	stream.indirect_vreg.gather [hbm4b:s3+s4], $0x80, v2, vm0, $0xb8;
	[tilespmem:$0x1A100] =	vst v63  }
0x18a: {  	s30 =	simm.s32 $0x13100  }
0x18b: {  	[tilespmem:s30], [sflag:$0x3] =	stream.indirect_vreg.gather [hbm4b:s5+s4], $0x80, v2, vm0, $0xb8;
	[tilespmem:$0x1A100] =	vst v63  }
0x18c: {  	s31 =	simm.s32 $0x13900  }
0x18d: {  	[tilespmem:s31], [sflag:$0x3] =	stream.indirect_vreg.gather [hbm4b:s8+s4], $0x80, v2, vm0, $0xb8;
	[tilespmem:$0x1A100] =	vst v63  }
0x18e: {  	s6 =	simm.s32 $0x14100  }
0x18f: {  	[tilespmem:s6], [sflag:$0x3] =	stream.indirect_vreg.gather [hbm4b:s12+s4], $0x80, v2, vm0, $0xb8;
	[tilespmem:$0x1A100] =	vst v63  }
0x190: {  	s9 =	simm.s32 $0x14900  }
0x191: {  	[tilespmem:s9], [sflag:$0x3] =	stream.indirect_vreg.gather [hbm4b:s13+s4], $0x80, v2, vm0, $0xb8;
	[tilespmem:$0x1A100] =	vst v63  }
0x192: {  	s10 =	simm.s32 $0x15100  }
0x193: {  	[tilespmem:s10], [sflag:$0x3] =	stream.indirect_vreg.gather [hbm4b:s14+s4], $0x80, v2, vm0, $0xb8;
	[tilespmem:$0x1A100] =	vst v63  }
0x194: {  	s15 =	simm.s32 $0x15900;
	s17 =	simm.s32 $0x8  }
0x195: {  	[tilespmem:s15], [sflag:$0x3] =	stream.indirect_vreg.gather [hbm4b:s16+s4], $0x80, v2, vm0, $0xb8;
	[tilespmem:$0x1A100] =	vst v63  }
0x196: {  	_ =	swait.ge [sflag:s17], $0x4000  }
0x197: {  	[sflag:s17] =	ssyncset.done $0x0  }
0x198: {  	[sflag:s17] =	ssyncadd.s32 $0xFFFFC000  }
0x199: {  	v2 =	vld.msk [tilespmem:s22+$0x0], $0xf;
	_ =	sdelay $0x4  }
0x19a: {  	v3 =	vshll.u32 v2, $0x5  }
0x19b: {  	v2 =	vand.u32 $0x7, v2;
	v3 =	vand.u32 $0xFFFFFF00, v3  }
0x19c: {  	v2 =	vor.u32 v2, v3  }
0x19d: {  	v2 =	vperm.xlane v2, v0;
	_ =	sdelay $0x1  }
0x19e: {  	v2 =	vadd.s32 v1, v2;
	_ =	sdelay $0x3  }
0x19f: {  	s18 =	simm.s32 $0x16100  }
0x1a0: {  	[tilespmem:s18], [sflag:$0x4] =	stream.indirect_vreg.gather [hbm4b:s1+s4], $0x80, v2, vm0, $0xb8;
	[tilespmem:$0x1A100] =	vst v63  }
0x1a1: {  	s21 =	simm.s32 $0x16900  }
0x1a2: {  	[tilespmem:s21], [sflag:$0x4] =	stream.indirect_vreg.gather [hbm4b:s3+s4], $0x80, v2, vm0, $0xb8;
	[tilespmem:$0x1A100] =	vst v63  }
0x1a3: {  	s23 =	simm.s32 $0x17100  }
0x1a4: {  	[tilespmem:s23], [sflag:$0x4] =	stream.indirect_vreg.gather [hbm4b:s5+s4], $0x80, v2, vm0, $0xb8;
	[tilespmem:$0x1A100] =	vst v63  }
0x1a5: {  	s24 =	simm.s32 $0x17900  }
0x1a6: {  	[tilespmem:s24], [sflag:$0x4] =	stream.indirect_vreg.gather [hbm4b:s8+s4], $0x80, v2, vm0, $0xb8;
	[tilespmem:$0x1A100] =	vst v63  }
0x1a7: {  	s25 =	simm.s32 $0x18100  }
0x1a8: {  	[tilespmem:s25], [sflag:$0x4] =	stream.indirect_vreg.gather [hbm4b:s12+s4], $0x80, v2, vm0, $0xb8;
	[tilespmem:$0x1A100] =	vst v63  }
0x1a9: {  	s7 =	sadd.s32 $0x2000, s7;
	s29 =	simm.s32 $0x18900  }
0x1aa: {  	[tilespmem:s29], [sflag:$0x4] =	stream.indirect_vreg.gather [hbm4b:s13+s4], $0x80, v2, vm0, $0xb8;
	[tilespmem:$0x1A100] =	vst v63  }
.Ltmp3:
0x1ab: {  	s2 =	sadd.s32 $0x10, s2;
	s30 =	simm.s32 $0x19100;
	(pc) =	sbr.rel .LBB2_2-.Ltmp3, $4  }
0x1ac: {  	s31 =	simm.s32 $0x19900;
	s6 =	simm.s32 $0xE100;
	s9 =	simm.s32 $0x12100  }
0x1ad: {  	[tilespmem:s30], [sflag:$0x4] =	stream.indirect_vreg.gather [hbm4b:s14+s4], $0x80, v2, vm0, $0xb8;
	[tilespmem:$0x1A100] =	vst v63  }
0x1ae: {  	s10 =	simm.s32 $0x16100;
	s22 =	sadd.s32 $0x200, s22;
	s8 =	simm.s32 $0xA100  }
0x1af: {  	[tilespmem:s31], [sflag:$0x4] =	stream.indirect_vreg.gather [hbm4b:s16+s4], $0x80, v2, vm0, $0xb8;
	[tilespmem:$0x1A100] =	vst v63  }
.LBB2_5:
0x1b0: {  	_ =	sfence.sel $0x180000  }
0x1b1: {  	[bflag:$0x0] =	sbarrier.arrive $0xFFFF  }
0x1b2: {  	_ =	strace $0x90000047  }
0x1b3: {  	s0 =	stileid.u32;
	[bflag:$0x2] =	sbarrier.arrive $0xFFFF  }
0x1b4: {  	p0 =	sne.s32 s0, $0x0;
	s0 =	rddreg [dreg:$0x6]  }
0x1b5: {  	s0 =	sadd.s32 @!p0 $0x100000, s0  }
0x1b6: {  	[sflag:s0] =	ssyncadd.tile.s32 @!p0 $0x1;
	_ =	shalt  }
.Lfunc_end2:
_tile_overlayer_lowered:
.L_overlay_start_2:
0x1b7: {  	(tag) =	ssettag $0x2  }
0x1b8: {  	s0 =	rddreg [dreg:$0x0];
	s2 =	stileid.u32  }
0x1b9: {  	s1 =	rddreg [dreg:$0x1];
	p0 =	sne.s32 s2, $0x0  }
0x1ba: {  	s3 =	rddreg [dreg:$0x2];
	[bflag:$0x3] =	sbarrier.arrive $0xFFFF;
	s2 =	simm.s32 @!p0 $0x1C0D  }
0x1bb: {  	[timem:s3], [sflag:s2] =	dma.local @!p0 [hbm:s0], s1  }
0x1bc: {  	s0 =	simm.s32 @!p0 $0xD  }
0x1bd: {  	_ =	swait.ge @!p0 [sflag:s0], s1  }
0x1be: {  	s1 =	ssub.s32 @!p0 $0x0, s1;
	[sflag:s0] =	ssyncset.done @!p0 $0x0  }
0x1bf: {  	[sflag:s0] =	ssyncadd.s32 @!p0 s1  }
0x1c0: {  	[bflag:$0x3] =	sbarrier.arrive $0xFFFF  }
0x1c1: {  	_ =	shalt  }

</sc_bundles>
